<compile_context>
chip_gen: v7x
topology: tpu7x:2x2x1
jax: 0.10.2.dev20260603
libtpu: 0.0.44.dev20260713+nightly
codegen_flags: <defaults>
</compile_context>

<pallas_src>
import jax
import jax.numpy as jnp
from jax import lax
from jax.experimental import pallas as pl
from jax.experimental.pallas import tpu as pltpu
from jax.experimental.pallas import tpu_sc as plsc

N = 10000
E = 320000
LM = 768
H = 160
HH = H // 2
P = 32

NC = 2
NS = 16
EPS = E // NS
CB = 80
NCH = EPS // CB
NP = N
RPS = NP // NS

RB = 1000
GRID = N // RB


def _leaky(v):
    return jnp.where(v > 0, v, 0.01 * v)


def _dot(a, b):
    return lax.dot_general(a, b, (((1,), (0,)), ((), ())),
                           preferred_element_type=jnp.float32)


def _dotT(a, b):
    return lax.dot_general(a, b, (((1,), (1,)), ((), ())),
                           preferred_element_type=jnp.float32)



def _front_body(x_r, des_r, tw_r, np_r, nc_r,
                Wt_r, Wd_r, Wtw_r, Wn_r, Wc_r, Wi_r,
                bt_r, bd_r, btw_r, bn_r, bc_r, bi_r, h_r):
    t = _leaky(_dotT(x_r[...], Wt_r[...]) + bt_r[...])
    d = _leaky(_dotT(des_r[...], Wd_r[...]) + bd_r[...])
    tw = _leaky(_dotT(tw_r[...], Wtw_r[...]) + btw_r[...])
    n = _leaky(_dotT(np_r[...], Wn_r[...]) + bn_r[...])
    c = _leaky(_dotT(nc_r[...], Wc_r[...]) + bc_r[...])
    Wi = Wi_r[...]
    acc = (_dotT(n, Wi[:, 0:P]) + _dotT(c, Wi[:, P:2 * P])
           + _dotT(d, Wi[:, 2 * P:3 * P]) + _dotT(tw, Wi[:, 3 * P:4 * P])
           + _dotT(t, Wi[:, 4 * P:5 * P]) + bi_r[...])
    h = _leaky(acc)
    h_r[0] = h[:, 0:HH]
    h_r[1] = h[:, HH:H]


def _front(x, des, tweet, nprop, ncat, Wt, Wd, Wtw, Wn, Wc, Wi,
           bt2, bd2, btw2, bn2, bc2, bi2):
    row = lambda w: pl.BlockSpec((RB, w), lambda i: (i, 0))
    full = lambda s: pl.BlockSpec(s, lambda i: tuple(0 for _ in s))
    return pl.pallas_call(
        _front_body,
        grid=(GRID,),
        in_specs=[row(LM), row(LM), row(LM), row(6), row(11),
                  full((P, LM)), full((P, LM)), full((P, LM)),
                  full((P, 6)), full((P, 11)), full((H, H)),
                  full((1, P)), full((1, P)), full((1, P)),
                  full((1, P)), full((1, P)), full((1, H))],
        out_specs=pl.BlockSpec((NC, RB, HH), lambda i: (0, i, 0)),
        out_shape=jax.ShapeDtypeStruct((NC, N, HH), jnp.float32),
    )(x, des, tweet, nprop, ncat, Wt, Wd, Wtw, Wn, Wc, Wi,
      bt2, bd2, btw2, bn2, bc2, bi2)



NBUF = 3
NBUF2 = 4


def _sc_body_deg(h_hbm, srcr, dstr, z80, z1, aggp, degp,
                 src_v, dst_v, g0, g1, g2, s0, s1, s2, deg_v, acc):
    c = lax.axis_index("c")
    s = lax.axis_index("s")
    gbufs = [g0, g1, g2]
    gsems = [s0, s1, s2]
    hc = h_hbm.at[c]
    pltpu.sync_copy(srcr.at[s], src_v)
    pltpu.sync_copy(dstr.at[s], dst_v)
    for b in range(NBUF):
        pltpu.async_copy(hc.at[src_v.at[b]], gbufs[b], gsems[b])
    o = s * RPS
    pltpu.sync_copy(z80.at[pl.ds(o, RPS)], acc.at[pl.ds(o, RPS)])
    pltpu.sync_copy(z1, deg_v)
    plsc.subcore_barrier()
    ones16 = jnp.ones((16,), jnp.float32)

    def step(i, carry):
        for b in range(NBUF):
            t = i * NBUF + b

            @pl.when(t < NCH)
            def _(t=t, b=b):
                pltpu.make_async_copy(hc.at[src_v.at[t]], gbufs[b],
                                      gsems[b]).wait()
                pltpu.sync_copy(gbufs[b], acc.at[dst_v.at[t]], add=True)

                @pl.when(c == 0)
                def _():
                    for k in range(CB // 16):
                        idx = dst_v[t, pl.ds(k * 16, 16)]
                        plsc.addupdate_scatter(deg_v, [idx], ones16)

                @pl.when(t + NBUF < NCH)
                def _():
                    pltpu.async_copy(hc.at[src_v.at[t + NBUF]],
                                     gbufs[b], gsems[b])

        return carry

    lax.fori_loop(0, (NCH + NBUF - 1) // NBUF, step, 0)
    plsc.subcore_barrier()
    pltpu.sync_copy(acc.at[pl.ds(o, RPS)], aggp.at[c, pl.ds(o, RPS)])

    @pl.when(c == 0)
    def _():
        pltpu.sync_copy(deg_v, degp.at[s])


def _sc_body(h_hbm, srcr, dstr, z80, aggp,
             src_v, dst_v, g0, g1, g2, g3, s0, s1, s2, s3, acc):
    c = lax.axis_index("c")
    s = lax.axis_index("s")
    gbufs = [g0, g1, g2, g3]
    gsems = [s0, s1, s2, s3]
    hc = h_hbm.at[c]
    pltpu.sync_copy(srcr.at[s], src_v)
    pltpu.sync_copy(dstr.at[s], dst_v)
    for b in range(NBUF2):
        pltpu.async_copy(hc.at[src_v.at[b]], gbufs[b], gsems[b])
    o = s * RPS
    pltpu.sync_copy(z80.at[pl.ds(o, RPS)], acc.at[pl.ds(o, RPS)])
    plsc.subcore_barrier()

    def step(i, carry):
        for b in range(NBUF2):
            t = i * NBUF2 + b

            @pl.when(t < NCH)
            def _(t=t, b=b):
                pltpu.make_async_copy(hc.at[src_v.at[t]], gbufs[b],
                                      gsems[b]).wait()
                pltpu.sync_copy(gbufs[b], acc.at[dst_v.at[t]], add=True)

                @pl.when(t + NBUF2 < NCH)
                def _():
                    pltpu.async_copy(hc.at[src_v.at[t + NBUF2]],
                                     gbufs[b], gsems[b])

        return carry

    lax.fori_loop(0, (NCH + NBUF2 - 1) // NBUF2, step, 0)
    plsc.subcore_barrier()
    pltpu.sync_copy(acc.at[pl.ds(o, RPS)], aggp.at[c, pl.ds(o, RPS)])


_SC_MESH = plsc.VectorSubcoreMesh(core_axis_name="c", subcore_axis_name="s")
_SC_PARAMS = pltpu.CompilerParams(use_tc_tiling_on_sc=False,
                                  needs_layout_passes=False)

_agg_deg = pl.kernel(
    _sc_body_deg,
    compiler_params=_SC_PARAMS,
    out_type=(jax.ShapeDtypeStruct((NC, NP, HH), jnp.float32),
              jax.ShapeDtypeStruct((NS, N), jnp.float32)),
    mesh=_SC_MESH,
    scratch_types=(
        [pltpu.VMEM((NCH, CB), jnp.int32),
         pltpu.VMEM((NCH, CB), jnp.int32)]
        + [pltpu.VMEM((CB, HH), jnp.float32)] * NBUF
        + [pltpu.SemaphoreType.DMA] * NBUF
        + [pltpu.VMEM((N,), jnp.float32),
           pltpu.VMEM_SHARED((NP, HH), jnp.float32)]
    ),
)

_agg = pl.kernel(
    _sc_body,
    compiler_params=_SC_PARAMS,
    out_type=jax.ShapeDtypeStruct((NC, NP, HH), jnp.float32),
    mesh=_SC_MESH,
    scratch_types=(
        [pltpu.VMEM((NCH, CB), jnp.int32),
         pltpu.VMEM((NCH, CB), jnp.int32)]
        + [pltpu.VMEM((CB, HH), jnp.float32)] * NBUF2
        + [pltpu.SemaphoreType.DMA] * NBUF2
        + [pltpu.VMEM_SHARED((NP, HH), jnp.float32)]
    ),
)



def _mid_body(aggp_r, degpT_r, hp_r, Wl_r, Wr_r, bl_r, h1_r, degi_r):
    deg = jnp.sum(degpT_r[...], axis=1, keepdims=True)
    degi = 1.0 / jnp.maximum(deg, 1.0)
    degi_r[...] = degi
    Wl = Wl_r[...]
    Wr = Wr_r[...]
    h1 = (_dotT(aggp_r[0] * degi, Wl[:, 0:HH]) +
          _dotT(aggp_r[1] * degi, Wl[:, HH:H]) + bl_r[...] +
          _dotT(hp_r[0], Wr[:, 0:HH]) + _dotT(hp_r[1], Wr[:, HH:H]))
    h1_r[0] = h1[:, 0:HH]
    h1_r[1] = h1[:, HH:H]


def _mid(aggp, degpT, hp, Wl, Wr, bl2):
    row = lambda w: pl.BlockSpec((RB, w), lambda i: (i, 0))
    part = lambda w: pl.BlockSpec((NC, RB, w), lambda i: (0, i, 0))
    full = lambda s: pl.BlockSpec(s, lambda i: tuple(0 for _ in s))
    return pl.pallas_call(
        _mid_body,
        grid=(GRID,),
        in_specs=[part(HH), row(NS), part(HH),
                  full((H, H)), full((H, H)), full((1, H))],
        out_specs=[part(HH), row(1)],
        out_shape=[jax.ShapeDtypeStruct((NC, N, HH), jnp.float32),
                   jax.ShapeDtypeStruct((N, 1), jnp.float32)],
    )(aggp, degpT, hp, Wl, Wr, bl2)


def _out_body(aggp_r, degi_r, h1p_r, Wl_r, Wr_r, bl_r,
              Wo1_r, bo1_r, Wo2_r, bo2_r, out_r, em_r):
    degi = degi_r[...]
    Wl = Wl_r[...]
    Wr = Wr_r[...]
    h2 = (_dotT(aggp_r[0] * degi, Wl[:, 0:HH]) +
          _dotT(aggp_r[1] * degi, Wl[:, HH:H]) + bl_r[...] +
          _dotT(h1p_r[0], Wr[:, 0:HH]) + _dotT(h1p_r[1], Wr[:, HH:H]))
    em = _leaky(_dotT(h2, Wo1_r[...]) + bo1_r[...])
    em_r[...] = em
    out_r[...] = _dotT(em, Wo2_r[...]) + bo2_r[...]


def _out(aggp, degi, h1p, Wl, Wr, bl2, Wo1, bo12, Wo2, bo22):
    row = lambda w: pl.BlockSpec((RB, w), lambda i: (i, 0))
    part = lambda w: pl.BlockSpec((NC, RB, w), lambda i: (0, i, 0))
    full = lambda s: pl.BlockSpec(s, lambda i: tuple(0 for _ in s))
    return pl.pallas_call(
        _out_body,
        grid=(GRID,),
        in_specs=[part(HH), row(1), part(HH),
                  full((H, H)), full((H, H)), full((1, H)),
                  full((H, H)), full((1, H)), full((2, H)), full((1, 2))],
        out_specs=[row(2), row(H)],
        out_shape=[jax.ShapeDtypeStruct((N, 2), jnp.float32),
                   jax.ShapeDtypeStruct((N, H), jnp.float32)],
    )(aggp, degi, h1p, Wl, Wr, bl2, Wo1, bo12, Wo2, bo22)



def kernel(x, edge_index, num_prop, num_category, des_tensor, tweet_tensor,
           Wd, bd, Wtw, btw, Wt, bt, Wn, bn, Wc, bc, Wi, bi,
           Wl, bl, Wr, Wo1, bo1, Wo2, bo2):
    srcr = edge_index[0].reshape(NS, NCH, CB)
    dstr = edge_index[1].reshape(NS, NCH, CB)
    z80 = jnp.zeros((NP, HH), jnp.float32)
    z1 = jnp.zeros((N,), jnp.float32)

    r2 = lambda v: v.reshape(1, -1)
    hp = _front(x, des_tensor, tweet_tensor, num_prop, num_category,
                Wt, Wd, Wtw, Wn, Wc, Wi,
                r2(bt), r2(bd), r2(btw), r2(bn), r2(bc), r2(bi))

    aggp, degp = _agg_deg(hp, srcr, dstr, z80, z1)
    h1p, degi = _mid(aggp, degp.T, hp, Wl, Wr, r2(bl))
    aggp2 = _agg(h1p, srcr, dstr, z80)
    out, em = _out(aggp2, degi, h1p, Wl, Wr, r2(bl),
                   Wo1, r2(bo1), Wo2, r2(bo2))
    return (out, em)

# --- scband reference (transcript-rebuilt; emitter-appended) ---
"""Pipeline reference for scband-sage2-28432683499967 (READ-ONLY COPY).

The authoritative reference and input builder live on the scoring server;
editing this copy changes nothing except your own understanding.
"""

import jax, jax.numpy as jnp
import numpy as np

N = 10000
E = 320000
LM = 768
H = 160
P = H // 5  # 32


def _w(key, out_f, in_f):
    return jax.random.normal(key, (out_f, in_f), dtype=jnp.float32) / np.sqrt(in_f)


def _b(key, out_f):
    return jax.random.normal(key, (out_f,), dtype=jnp.float32) * 0.01


def setup_inputs(seed: int = 0) -> dict:
    key = jax.random.key(seed)
    ks = jax.random.split(key, 32)
    inp = {}
    inp['x'] = jax.random.normal(ks[0], (N, LM), dtype=jnp.float32)
    inp['edge_index'] = jax.random.randint(ks[1], (2, E), 0, N, dtype=jnp.int32)
    inp['num_prop'] = jax.random.normal(ks[2], (N, 6), dtype=jnp.float32)
    inp['num_category'] = jax.random.normal(ks[3], (N, 11), dtype=jnp.float32)
    inp['des_tensor'] = jax.random.normal(ks[4], (N, LM), dtype=jnp.float32)
    inp['tweet_tensor'] = jax.random.normal(ks[5], (N, LM), dtype=jnp.float32)
    # learned parameters
    inp['Wd'] = _w(ks[6], P, LM);  inp['bd'] = _b(ks[7], P)
    inp['Wtw'] = _w(ks[8], P, LM); inp['btw'] = _b(ks[9], P)
    inp['Wt'] = _w(ks[10], P, LM); inp['bt'] = _b(ks[11], P)
    inp['Wn'] = _w(ks[12], P, 6);  inp['bn'] = _b(ks[13], P)
    inp['Wc'] = _w(ks[14], P, 11); inp['bc'] = _b(ks[15], P)
    inp['Wi'] = _w(ks[16], H, H);  inp['bi'] = _b(ks[17], H)
    # SAGEConv: lin_l (neighbor agg, with bias), lin_r (root, no bias)
    inp['Wl'] = _w(ks[18], H, H);  inp['bl'] = _b(ks[19], H)
    inp['Wr'] = _w(ks[20], H, H)
    inp['Wo1'] = _w(ks[21], H, H); inp['bo1'] = _b(ks[22], H)
    inp['Wo2'] = _w(ks[23], 2, H); inp['bo2'] = _b(ks[24], 2)
    return inp


def _leaky(x):
    return jnp.where(x > 0, x, 0.01 * x)


def _sage_conv(h, src, dst, Wl, bl, Wr):
    # mean aggregation over incoming neighbors (src -> dst)
    msg = jnp.take(h, src, axis=0)
    agg = jax.ops.segment_sum(msg, dst, num_segments=N)
    deg = jax.ops.segment_sum(jnp.ones((src.shape[0], 1), dtype=h.dtype), dst, num_segments=N)
    agg = agg / jnp.maximum(deg, 1.0)
    return agg @ Wl.T + bl + h @ Wr.T


def reference(x, edge_index, num_prop, num_category, des_tensor, tweet_tensor,
              Wd, bd, Wtw, btw, Wt, bt, Wn, bn, Wc, bc, Wi, bi,
              Wl, bl, Wr, Wo1, bo1, Wo2, bo2):
    src = edge_index[0]
    dst = edge_index[1]
    d = _leaky(des_tensor @ Wd.T + bd)
    tw = _leaky(tweet_tensor @ Wtw.T + btw)
    t = _leaky(x @ Wt.T + bt)
    n = _leaky(num_prop @ Wn.T + bn)
    c = _leaky(num_category @ Wc.T + bc)
    h = jnp.concatenate([n, c, d, tw, t], axis=1)
    h = _leaky(h @ Wi.T + bi)
    h = _sage_conv(h, src, dst, Wl, bl, Wr)  # dropout = identity (eval)
    h = _sage_conv(h, src, dst, Wl, bl, Wr)  # shared conv1 applied twice
    em = _leaky(h @ Wo1.T + bo1)
    out = em @ Wo2.T + bo2
    return (out, em)

if __name__ == "__main__":
    import jax
    _d = setup_inputs()
    print(jax.jit(kernel)(*tuple(_d.values())))

</pallas_src>

<mosaic_0001>
#map = affine_map<(d0, d1) -> (0, 0, 0)>
#map1 = affine_map<(d0, d1) -> (0, 0)>
module attributes {stable_mosaic.version = 14 : i64} {
  func.func @_sc_body(%arg0: i32, %arg1: i32, %arg2: memref<2x10000x80xf32, #tpu.memory_space<hbm>>, %arg3: memref<16x250x80xi32, #tpu.memory_space<hbm>>, %arg4: memref<16x250x80xi32, #tpu.memory_space<hbm>>, %arg5: memref<10000x80xf32, #tpu.memory_space<hbm>>, %arg6: memref<2x10000x80xf32, #tpu.memory_space<hbm>>, %arg7: memref<250x80xi32, #tpu.memory_space<vmem>>, %arg8: memref<250x80xi32, #tpu.memory_space<vmem>>, %arg9: memref<80x80xf32, #tpu.memory_space<vmem>>, %arg10: memref<80x80xf32, #tpu.memory_space<vmem>>, %arg11: memref<80x80xf32, #tpu.memory_space<vmem>>, %arg12: memref<80x80xf32, #tpu.memory_space<vmem>>, %arg13: memref<!tpu.dma_semaphore, #tpu.memory_space<semaphore_mem>>, %arg14: memref<!tpu.dma_semaphore, #tpu.memory_space<semaphore_mem>>, %arg15: memref<!tpu.dma_semaphore, #tpu.memory_space<semaphore_mem>>, %arg16: memref<!tpu.dma_semaphore, #tpu.memory_space<semaphore_mem>>, %arg17: memref<10000x80xf32, #tpu.memory_space<vmem_shared>>) attributes {dimension_semantics = [#tpu.dimension_semantics<core_parallel>, #tpu.dimension_semantics<subcore_parallel>], iteration_bounds = array<i64: 2, 16>, scalar_prefetch = 0 : i64, scratch_operands = 11 : i64, tpu.core_type = #tpu.core_type<sc_vector_subcore>, window_params = [{transform_indices = #map}, {transform_indices = #map}, {transform_indices = #map}, {transform_indices = #map1}, {transform_indices = #map}]} {
    "tpu.region"() ({
      %run_scoped3A = tpu.sem_alloc : memref<!tpu.dma_semaphore, #tpu.memory_space<semaphore_mem>>
      %dma_start3A_50 = arith.constant 0 : i32
      %dma_start3A_51 = arith.constant 0 : i32
      %dma_start3A_52 = tpu.memref_slice %arg3[%arg1, %dma_start3A_50, %dma_start3A_51] : memref<16x250x80xi32, #tpu.memory_space<hbm>> -> memref<1x250x80xi32, #tpu.memory_space<hbm>>
      %dma_start3A_53 = tpu.memref_squeeze %dma_start3A_52 : memref<1x250x80xi32, #tpu.memory_space<hbm>> -> memref<250x80xi32, #tpu.memory_space<hbm>>
      %dma_start3A_54 = arith.constant 0 : i32
      %dma_start3A_55 = arith.constant 0 : i32
      %dma_start3A_56 = tpu.memref_slice %arg3[%arg1, %dma_start3A_54, %dma_start3A_55] : memref<16x250x80xi32, #tpu.memory_space<hbm>> -> memref<1x250x80xi32, #tpu.memory_space<hbm>>
      %dma_start3A_57 = tpu.memref_squeeze %dma_start3A_56 : memref<1x250x80xi32, #tpu.memory_space<hbm>> -> memref<250x80xi32, #tpu.memory_space<hbm>>
      tpu.enqueue_dma source(%dma_start3A_57 : memref<250x80xi32, #tpu.memory_space<hbm>>) target(%arg7 : memref<250x80xi32, #tpu.memory_space<vmem>>) target_semaphore(%run_scoped3A : memref<!tpu.dma_semaphore, #tpu.memory_space<semaphore_mem>>)
      %dma_wait3A = arith.constant 0 : i32
      %dma_wait3A_58 = arith.constant 0 : i32
      %dma_wait3A_59 = tpu.memref_slice %arg3[%arg1, %dma_wait3A, %dma_wait3A_58] : memref<16x250x80xi32, #tpu.memory_space<hbm>> -> memref<1x250x80xi32, #tpu.memory_space<hbm>>
      %dma_wait3A_60 = tpu.memref_squeeze %dma_wait3A_59 : memref<1x250x80xi32, #tpu.memory_space<hbm>> -> memref<250x80xi32, #tpu.memory_space<hbm>>
      %dma_wait3A_61 = arith.constant 0 : i32
      %dma_wait3A_62 = arith.constant 0 : i32
      %dma_wait3A_63 = tpu.memref_slice %arg3[%arg1, %dma_wait3A_61, %dma_wait3A_62] : memref<16x250x80xi32, #tpu.memory_space<hbm>> -> memref<1x250x80xi32, #tpu.memory_space<hbm>>
      %dma_wait3A_64 = tpu.memref_squeeze %dma_wait3A_63 : memref<1x250x80xi32, #tpu.memory_space<hbm>> -> memref<250x80xi32, #tpu.memory_space<hbm>>
      tpu.wait_dma2 semaphore(%run_scoped3A : memref<!tpu.dma_semaphore, #tpu.memory_space<semaphore_mem>>) src(%dma_wait3A_64 : memref<250x80xi32, #tpu.memory_space<hbm>>) dst(%arg7 : memref<250x80xi32, #tpu.memory_space<vmem>>)
      tpu.yield
    }) : () -> ()
    "tpu.region"() ({
      %run_scoped3A = tpu.sem_alloc : memref<!tpu.dma_semaphore, #tpu.memory_space<semaphore_mem>>
      %dma_start3A_50 = arith.constant 0 : i32
      %dma_start3A_51 = arith.constant 0 : i32
      %dma_start3A_52 = tpu.memref_slice %arg4[%arg1, %dma_start3A_50, %dma_start3A_51] : memref<16x250x80xi32, #tpu.memory_space<hbm>> -> memref<1x250x80xi32, #tpu.memory_space<hbm>>
      %dma_start3A_53 = tpu.memref_squeeze %dma_start3A_52 : memref<1x250x80xi32, #tpu.memory_space<hbm>> -> memref<250x80xi32, #tpu.memory_space<hbm>>
      %dma_start3A_54 = arith.constant 0 : i32
      %dma_start3A_55 = arith.constant 0 : i32
      %dma_start3A_56 = tpu.memref_slice %arg4[%arg1, %dma_start3A_54, %dma_start3A_55] : memref<16x250x80xi32, #tpu.memory_space<hbm>> -> memref<1x250x80xi32, #tpu.memory_space<hbm>>
      %dma_start3A_57 = tpu.memref_squeeze %dma_start3A_56 : memref<1x250x80xi32, #tpu.memory_space<hbm>> -> memref<250x80xi32, #tpu.memory_space<hbm>>
      tpu.enqueue_dma source(%dma_start3A_57 : memref<250x80xi32, #tpu.memory_space<hbm>>) target(%arg8 : memref<250x80xi32, #tpu.memory_space<vmem>>) target_semaphore(%run_scoped3A : memref<!tpu.dma_semaphore, #tpu.memory_space<semaphore_mem>>)
      %dma_wait3A = arith.constant 0 : i32
      %dma_wait3A_58 = arith.constant 0 : i32
      %dma_wait3A_59 = tpu.memref_slice %arg4[%arg1, %dma_wait3A, %dma_wait3A_58] : memref<16x250x80xi32, #tpu.memory_space<hbm>> -> memref<1x250x80xi32, #tpu.memory_space<hbm>>
      %dma_wait3A_60 = tpu.memref_squeeze %dma_wait3A_59 : memref<1x250x80xi32, #tpu.memory_space<hbm>> -> memref<250x80xi32, #tpu.memory_space<hbm>>
      %dma_wait3A_61 = arith.constant 0 : i32
      %dma_wait3A_62 = arith.constant 0 : i32
      %dma_wait3A_63 = tpu.memref_slice %arg4[%arg1, %dma_wait3A_61, %dma_wait3A_62] : memref<16x250x80xi32, #tpu.memory_space<hbm>> -> memref<1x250x80xi32, #tpu.memory_space<hbm>>
      %dma_wait3A_64 = tpu.memref_squeeze %dma_wait3A_63 : memref<1x250x80xi32, #tpu.memory_space<hbm>> -> memref<250x80xi32, #tpu.memory_space<hbm>>
      tpu.wait_dma2 semaphore(%run_scoped3A : memref<!tpu.dma_semaphore, #tpu.memory_space<semaphore_mem>>) src(%dma_wait3A_64 : memref<250x80xi32, #tpu.memory_space<hbm>>) dst(%arg8 : memref<250x80xi32, #tpu.memory_space<vmem>>)
      tpu.yield
    }) : () -> ()
    %dma_start3A = arith.constant 0 : i32
    %dma_start3A_0 = arith.constant 0 : i32
    %dma_start3A_1 = tpu.memref_slice %arg7[%dma_start3A, %dma_start3A_0] : memref<250x80xi32, #tpu.memory_space<vmem>> -> memref<1x80xi32, #tpu.memory_space<vmem>>
    %dma_start3A_2 = tpu.memref_squeeze %dma_start3A_1 : memref<1x80xi32, #tpu.memory_space<vmem>> -> memref<80xi32, #tpu.memory_space<vmem>>
    %dma_start3A_3 = arith.constant 0 : i32
    %dma_start3A_4 = arith.constant 0 : i32
    %dma_start3A_5 = tpu.memref_slice %arg2[%arg0, %dma_start3A_3, %dma_start3A_4] : memref<2x10000x80xf32, #tpu.memory_space<hbm>> -> memref<1x10000x80xf32, #tpu.memory_space<hbm>>
    %dma_start3A_6 = tpu.memref_squeeze %dma_start3A_5 : memref<1x10000x80xf32, #tpu.memory_space<hbm>> -> memref<10000x80xf32, #tpu.memory_space<hbm>>
    %dma_start3A_7 = arith.constant 0 : i32
    %dma_start3A_8 = arith.constant 0 : i32
    %dma_start3A_9 = tpu.memref_slice %dma_start3A_6[%dma_start3A_7, %dma_start3A_8] : memref<10000x80xf32, #tpu.memory_space<hbm>> -> memref<10000x80xf32, #tpu.memory_space<hbm>>
    tpu.enqueue_indirect_dma source(%dma_start3A_9 : memref<10000x80xf32, #tpu.memory_space<hbm>>) target(%arg9 : memref<80x80xf32, #tpu.memory_space<vmem>>) offsets(%dma_start3A_2 : memref<80xi32, #tpu.memory_space<vmem>>) semaphore(%arg13 : memref<!tpu.dma_semaphore, #tpu.memory_space<semaphore_mem>>)
    %dma_start3A_10 = arith.constant 1 : i32
    %dma_start3A_11 = arith.constant 0 : i32
    %dma_start3A_12 = tpu.memref_slice %arg7[%dma_start3A_10, %dma_start3A_11] : memref<250x80xi32, #tpu.memory_space<vmem>> -> memref<1x80xi32, #tpu.memory_space<vmem>>
    %dma_start3A_13 = tpu.memref_squeeze %dma_start3A_12 : memref<1x80xi32, #tpu.memory_space<vmem>> -> memref<80xi32, #tpu.memory_space<vmem>>
    %dma_start3A_14 = arith.constant 0 : i32
    %dma_start3A_15 = arith.constant 0 : i32
    %dma_start3A_16 = tpu.memref_slice %arg2[%arg0, %dma_start3A_14, %dma_start3A_15] : memref<2x10000x80xf32, #tpu.memory_space<hbm>> -> memref<1x10000x80xf32, #tpu.memory_space<hbm>>
    %dma_start3A_17 = tpu.memref_squeeze %dma_start3A_16 : memref<1x10000x80xf32, #tpu.memory_space<hbm>> -> memref<10000x80xf32, #tpu.memory_space<hbm>>
    %dma_start3A_18 = arith.constant 0 : i32
    %dma_start3A_19 = arith.constant 0 : i32
    %dma_start3A_20 = tpu.memref_slice %dma_start3A_17[%dma_start3A_18, %dma_start3A_19] : memref<10000x80xf32, #tpu.memory_space<hbm>> -> memref<10000x80xf32, #tpu.memory_space<hbm>>
    tpu.enqueue_indirect_dma source(%dma_start3A_20 : memref<10000x80xf32, #tpu.memory_space<hbm>>) target(%arg10 : memref<80x80xf32, #tpu.memory_space<vmem>>) offsets(%dma_start3A_13 : memref<80xi32, #tpu.memory_space<vmem>>) semaphore(%arg14 : memref<!tpu.dma_semaphore, #tpu.memory_space<semaphore_mem>>)
    %dma_start3A_21 = arith.constant 2 : i32
    %dma_start3A_22 = arith.constant 0 : i32
    %dma_start3A_23 = tpu.memref_slice %arg7[%dma_start3A_21, %dma_start3A_22] : memref<250x80xi32, #tpu.memory_space<vmem>> -> memref<1x80xi32, #tpu.memory_space<vmem>>
    %dma_start3A_24 = tpu.memref_squeeze %dma_start3A_23 : memref<1x80xi32, #tpu.memory_space<vmem>> -> memref<80xi32, #tpu.memory_space<vmem>>
    %dma_start3A_25 = arith.constant 0 : i32
    %dma_start3A_26 = arith.constant 0 : i32
    %dma_start3A_27 = tpu.memref_slice %arg2[%arg0, %dma_start3A_25, %dma_start3A_26] : memref<2x10000x80xf32, #tpu.memory_space<hbm>> -> memref<1x10000x80xf32, #tpu.memory_space<hbm>>
    %dma_start3A_28 = tpu.memref_squeeze %dma_start3A_27 : memref<1x10000x80xf32, #tpu.memory_space<hbm>> -> memref<10000x80xf32, #tpu.memory_space<hbm>>
    %dma_start3A_29 = arith.constant 0 : i32
    %dma_start3A_30 = arith.constant 0 : i32
    %dma_start3A_31 = tpu.memref_slice %dma_start3A_28[%dma_start3A_29, %dma_start3A_30] : memref<10000x80xf32, #tpu.memory_space<hbm>> -> memref<10000x80xf32, #tpu.memory_space<hbm>>
    tpu.enqueue_indirect_dma source(%dma_start3A_31 : memref<10000x80xf32, #tpu.memory_space<hbm>>) target(%arg11 : memref<80x80xf32, #tpu.memory_space<vmem>>) offsets(%dma_start3A_24 : memref<80xi32, #tpu.memory_space<vmem>>) semaphore(%arg15 : memref<!tpu.dma_semaphore, #tpu.memory_space<semaphore_mem>>)
    %dma_start3A_32 = arith.constant 3 : i32
    %dma_start3A_33 = arith.constant 0 : i32
    %dma_start3A_34 = tpu.memref_slice %arg7[%dma_start3A_32, %dma_start3A_33] : memref<250x80xi32, #tpu.memory_space<vmem>> -> memref<1x80xi32, #tpu.memory_space<vmem>>
    %dma_start3A_35 = tpu.memref_squeeze %dma_start3A_34 : memref<1x80xi32, #tpu.memory_space<vmem>> -> memref<80xi32, #tpu.memory_space<vmem>>
    %dma_start3A_36 = arith.constant 0 : i32
    %dma_start3A_37 = arith.constant 0 : i32
    %dma_start3A_38 = tpu.memref_slice %arg2[%arg0, %dma_start3A_36, %dma_start3A_37] : memref<2x10000x80xf32, #tpu.memory_space<hbm>> -> memref<1x10000x80xf32, #tpu.memory_space<hbm>>
    %dma_start3A_39 = tpu.memref_squeeze %dma_start3A_38 : memref<1x10000x80xf32, #tpu.memory_space<hbm>> -> memref<10000x80xf32, #tpu.memory_space<hbm>>
    %dma_start3A_40 = arith.constant 0 : i32
    %dma_start3A_41 = arith.constant 0 : i32
    %dma_start3A_42 = tpu.memref_slice %dma_start3A_39[%dma_start3A_40, %dma_start3A_41] : memref<10000x80xf32, #tpu.memory_space<hbm>> -> memref<10000x80xf32, #tpu.memory_space<hbm>>
    tpu.enqueue_indirect_dma source(%dma_start3A_42 : memref<10000x80xf32, #tpu.memory_space<hbm>>) target(%arg12 : memref<80x80xf32, #tpu.memory_space<vmem>>) offsets(%dma_start3A_35 : memref<80xi32, #tpu.memory_space<vmem>>) semaphore(%arg16 : memref<!tpu.dma_semaphore, #tpu.memory_space<semaphore_mem>>)
    %mul3A = arith.constant 625 : i32
    %mul3A_43 = arith.muli %arg1, %mul3A : i32
    "tpu.region"() ({
      %run_scoped3A = tpu.sem_alloc : memref<!tpu.dma_semaphore, #tpu.memory_space<semaphore_mem>>
      %dma_start3A_50 = arith.constant 0 : i32
      %dma_start3A_51 = tpu.memref_slice %arg17[%mul3A_43, %dma_start3A_50] : memref<10000x80xf32, #tpu.memory_space<vmem_shared>> -> memref<625x80xf32, #tpu.memory_space<vmem_shared>>
      %dma_start3A_52 = arith.constant 0 : i32
      %dma_start3A_53 = tpu.memref_slice %arg5[%mul3A_43, %dma_start3A_52] : memref<10000x80xf32, #tpu.memory_space<hbm>> -> memref<625x80xf32, #tpu.memory_space<hbm>>
      tpu.enqueue_dma source(%dma_start3A_53 : memref<625x80xf32, #tpu.memory_space<hbm>>) target(%dma_start3A_51 : memref<625x80xf32, #tpu.memory_space<vmem_shared>>) target_semaphore(%run_scoped3A : memref<!tpu.dma_semaphore, #tpu.memory_space<semaphore_mem>>)
      %dma_wait3A = arith.constant 0 : i32
      %dma_wait3A_54 = tpu.memref_slice %arg17[%mul3A_43, %dma_wait3A] : memref<10000x80xf32, #tpu.memory_space<vmem_shared>> -> memref<625x80xf32, #tpu.memory_space<vmem_shared>>
      %dma_wait3A_55 = arith.constant 0 : i32
      %dma_wait3A_56 = tpu.memref_slice %arg5[%mul3A_43, %dma_wait3A_55] : memref<10000x80xf32, #tpu.memory_space<hbm>> -> memref<625x80xf32, #tpu.memory_space<hbm>>
      tpu.wait_dma2 semaphore(%run_scoped3A : memref<!tpu.dma_semaphore, #tpu.memory_space<semaphore_mem>>) src(%dma_wait3A_56 : memref<625x80xf32, #tpu.memory_space<hbm>>) dst(%dma_wait3A_54 : memref<625x80xf32, #tpu.memory_space<vmem_shared>>)
      tpu.yield
    }) : () -> ()
    %barrier3A = arith.constant 0 : index
    tpu.barrier barrier_id(%barrier3A)
    %scan3A = arith.constant 0 : i32
    %scan3A_44 = arith.constant 0 : i32
    %scan3A_45 = arith.constant 63 : i32
    %scan3A_46 = arith.addi %scan3A_44, %scan3A_45 : i32
    %scan3A_47 = arith.constant 1 : i32
    scf.for %scan3A_50 = %scan3A_44 to %scan3A_46 step %scan3A_47  : i32 {
      %mul3A_51 = arith.constant 4 : i32
      %mul3A_52 = arith.muli %scan3A_50, %mul3A_51 : i32
      %add3A = arith.constant 0 : i32
      %add3A_53 = arith.addi %mul3A_52, %add3A : i32
      %lt3A = arith.constant 250 : i32
      %lt3A_54 = arith.cmpi slt, %add3A_53, %lt3A : i32
      %convert_element_type3A = arith.extui %lt3A_54 : i1 to i32
      %cond3A = arith.constant 0 : i32
      %cond3A_55 = arith.cmpi ne, %convert_element_type3A, %cond3A : i32
      scf.if %cond3A_55 {
        %dma_wait3A = arith.constant 0 : i32
        %dma_wait3A_83 = tpu.memref_slice %arg7[%add3A_53, %dma_wait3A] : memref<250x80xi32, #tpu.memory_space<vmem>> -> memref<1x80xi32, #tpu.memory_space<vmem>>
        %dma_wait3A_84 = tpu.memref_squeeze %dma_wait3A_83 : memref<1x80xi32, #tpu.memory_space<vmem>> -> memref<80xi32, #tpu.memory_space<vmem>>
        %dma_wait3A_85 = arith.constant 0 : i32
        %dma_wait3A_86 = arith.constant 0 : i32
        %dma_wait3A_87 = tpu.memref_slice %arg2[%arg0, %dma_wait3A_85, %dma_wait3A_86] : memref<2x10000x80xf32, #tpu.memory_space<hbm>> -> memref<1x10000x80xf32, #tpu.memory_space<hbm>>
        %dma_wait3A_88 = tpu.memref_squeeze %dma_wait3A_87 : memref<1x10000x80xf32, #tpu.memory_space<hbm>> -> memref<10000x80xf32, #tpu.memory_space<hbm>>
        %dma_wait3A_89 = arith.constant 0 : i32
        %dma_wait3A_90 = arith.constant 0 : i32
        %dma_wait3A_91 = tpu.memref_slice %dma_wait3A_88[%dma_wait3A_89, %dma_wait3A_90] : memref<10000x80xf32, #tpu.memory_space<hbm>> -> memref<10000x80xf32, #tpu.memory_space<hbm>>
        tpu.wait_indirect_dma semaphore(%arg13 : memref<!tpu.dma_semaphore, #tpu.memory_space<semaphore_mem>>) src(%dma_wait3A_91 : memref<10000x80xf32, #tpu.memory_space<hbm>>) dst(%arg9 : memref<80x80xf32, #tpu.memory_space<vmem>>)
        "tpu.region"() ({
          %run_scoped3A = tpu.sem_alloc : memref<!tpu.dma_semaphore, #tpu.memory_space<semaphore_mem>>
          %dma_start3A_99 = arith.constant 0 : i32
          %dma_start3A_100 = tpu.memref_slice %arg8[%add3A_53, %dma_start3A_99] : memref<250x80xi32, #tpu.memory_space<vmem>> -> memref<1x80xi32, #tpu.memory_space<vmem>>
          %dma_start3A_101 = tpu.memref_squeeze %dma_start3A_100 : memref<1x80xi32, #tpu.memory_space<vmem>> -> memref<80xi32, #tpu.memory_space<vmem>>
          %dma_start3A_102 = arith.constant 0 : i32
          %dma_start3A_103 = arith.constant 0 : i32
          %dma_start3A_104 = tpu.memref_slice %arg17[%dma_start3A_102, %dma_start3A_103] : memref<10000x80xf32, #tpu.memory_space<vmem_shared>> -> memref<10000x80xf32, #tpu.memory_space<vmem_shared>>
          tpu.enqueue_indirect_dma source(%arg9 : memref<80x80xf32, #tpu.memory_space<vmem>>) target(%dma_start3A_104 : memref<10000x80xf32, #tpu.memory_space<vmem_shared>>) offsets(%dma_start3A_101 : memref<80xi32, #tpu.memory_space<vmem>>) semaphore(%run_scoped3A : memref<!tpu.dma_semaphore, #tpu.memory_space<semaphore_mem>>) {add = true}
          %dma_wait3A_105 = arith.constant 0 : i32
          %dma_wait3A_106 = tpu.memref_slice %arg8[%add3A_53, %dma_wait3A_105] : memref<250x80xi32, #tpu.memory_space<vmem>> -> memref<1x80xi32, #tpu.memory_space<vmem>>
          %dma_wait3A_107 = tpu.memref_squeeze %dma_wait3A_106 : memref<1x80xi32, #tpu.memory_space<vmem>> -> memref<80xi32, #tpu.memory_space<vmem>>
          %dma_wait3A_108 = arith.constant 0 : i32
          %dma_wait3A_109 = arith.constant 0 : i32
          %dma_wait3A_110 = tpu.memref_slice %arg17[%dma_wait3A_108, %dma_wait3A_109] : memref<10000x80xf32, #tpu.memory_space<vmem_shared>> -> memref<10000x80xf32, #tpu.memory_space<vmem_shared>>
          tpu.wait_indirect_dma semaphore(%run_scoped3A : memref<!tpu.dma_semaphore, #tpu.memory_space<semaphore_mem>>) src(%arg9 : memref<80x80xf32, #tpu.memory_space<vmem>>) dst(%dma_wait3A_110 : memref<10000x80xf32, #tpu.memory_space<vmem_shared>>)
          tpu.yield
        }) : () -> ()
        %add3A_92 = arith.constant 4 : i32
        %add3A_93 = arith.addi %add3A_53, %add3A_92 : i32
        %lt3A_94 = arith.constant 250 : i32
        %lt3A_95 = arith.cmpi slt, %add3A_93, %lt3A_94 : i32
        %convert_element_type3A_96 = arith.extui %lt3A_95 : i1 to i32
        %cond3A_97 = arith.constant 0 : i32
        %cond3A_98 = arith.cmpi ne, %convert_element_type3A_96, %cond3A_97 : i32
        scf.if %cond3A_98 {
          %add3A_99 = arith.constant 4 : i32
          %add3A_100 = arith.addi %add3A_53, %add3A_99 : i32
          %dma_start3A_101 = arith.constant 0 : i32
          %dma_start3A_102 = tpu.memref_slice %arg7[%add3A_100, %dma_start3A_101] : memref<250x80xi32, #tpu.memory_space<vmem>> -> memref<1x80xi32, #tpu.memory_space<vmem>>
          %dma_start3A_103 = tpu.memref_squeeze %dma_start3A_102 : memref<1x80xi32, #tpu.memory_space<vmem>> -> memref<80xi32, #tpu.memory_space<vmem>>
          %dma_start3A_104 = arith.constant 0 : i32
          %dma_start3A_105 = arith.constant 0 : i32
          %dma_start3A_106 = tpu.memref_slice %arg2[%arg0, %dma_start3A_104, %dma_start3A_105] : memref<2x10000x80xf32, #tpu.memory_space<hbm>> -> memref<1x10000x80xf32, #tpu.memory_space<hbm>>
          %dma_start3A_107 = tpu.memref_squeeze %dma_start3A_106 : memref<1x10000x80xf32, #tpu.memory_space<hbm>> -> memref<10000x80xf32, #tpu.memory_space<hbm>>
          %dma_start3A_108 = arith.constant 0 : i32
          %dma_start3A_109 = arith.constant 0 : i32
          %dma_start3A_110 = tpu.memref_slice %dma_start3A_107[%dma_start3A_108, %dma_start3A_109] : memref<10000x80xf32, #tpu.memory_space<hbm>> -> memref<10000x80xf32, #tpu.memory_space<hbm>>
          tpu.enqueue_indirect_dma source(%dma_start3A_110 : memref<10000x80xf32, #tpu.memory_space<hbm>>) target(%arg9 : memref<80x80xf32, #tpu.memory_space<vmem>>) offsets(%dma_start3A_103 : memref<80xi32, #tpu.memory_space<vmem>>) semaphore(%arg13 : memref<!tpu.dma_semaphore, #tpu.memory_space<semaphore_mem>>)
        } else {
        }
      } else {
      }
      %mul3A_56 = arith.constant 4 : i32
      %mul3A_57 = arith.muli %scan3A_50, %mul3A_56 : i32
      %add3A_58 = arith.constant 1 : i32
      %add3A_59 = arith.addi %mul3A_57, %add3A_58 : i32
      %lt3A_60 = arith.constant 250 : i32
      %lt3A_61 = arith.cmpi slt, %add3A_59, %lt3A_60 : i32
      %convert_element_type3A_62 = arith.extui %lt3A_61 : i1 to i32
      %cond3A_63 = arith.constant 0 : i32
      %cond3A_64 = arith.cmpi ne, %convert_element_type3A_62, %cond3A_63 : i32
      scf.if %cond3A_64 {
        %dma_wait3A = arith.constant 0 : i32
        %dma_wait3A_83 = tpu.memref_slice %arg7[%add3A_59, %dma_wait3A] : memref<250x80xi32, #tpu.memory_space<vmem>> -> memref<1x80xi32, #tpu.memory_space<vmem>>
        %dma_wait3A_84 = tpu.memref_squeeze %dma_wait3A_83 : memref<1x80xi32, #tpu.memory_space<vmem>> -> memref<80xi32, #tpu.memory_space<vmem>>
        %dma_wait3A_85 = arith.constant 0 : i32
        %dma_wait3A_86 = arith.constant 0 : i32
        %dma_wait3A_87 = tpu.memref_slice %arg2[%arg0, %dma_wait3A_85, %dma_wait3A_86] : memref<2x10000x80xf32, #tpu.memory_space<hbm>> -> memref<1x10000x80xf32, #tpu.memory_space<hbm>>
        %dma_wait3A_88 = tpu.memref_squeeze %dma_wait3A_87 : memref<1x10000x80xf32, #tpu.memory_space<hbm>> -> memref<10000x80xf32, #tpu.memory_space<hbm>>
        %dma_wait3A_89 = arith.constant 0 : i32
        %dma_wait3A_90 = arith.constant 0 : i32
        %dma_wait3A_91 = tpu.memref_slice %dma_wait3A_88[%dma_wait3A_89, %dma_wait3A_90] : memref<10000x80xf32, #tpu.memory_space<hbm>> -> memref<10000x80xf32, #tpu.memory_space<hbm>>
        tpu.wait_indirect_dma semaphore(%arg14 : memref<!tpu.dma_semaphore, #tpu.memory_space<semaphore_mem>>) src(%dma_wait3A_91 : memref<10000x80xf32, #tpu.memory_space<hbm>>) dst(%arg10 : memref<80x80xf32, #tpu.memory_space<vmem>>)
        "tpu.region"() ({
          %run_scoped3A = tpu.sem_alloc : memref<!tpu.dma_semaphore, #tpu.memory_space<semaphore_mem>>
          %dma_start3A_99 = arith.constant 0 : i32
          %dma_start3A_100 = tpu.memref_slice %arg8[%add3A_59, %dma_start3A_99] : memref<250x80xi32, #tpu.memory_space<vmem>> -> memref<1x80xi32, #tpu.memory_space<vmem>>
          %dma_start3A_101 = tpu.memref_squeeze %dma_start3A_100 : memref<1x80xi32, #tpu.memory_space<vmem>> -> memref<80xi32, #tpu.memory_space<vmem>>
          %dma_start3A_102 = arith.constant 0 : i32
          %dma_start3A_103 = arith.constant 0 : i32
          %dma_start3A_104 = tpu.memref_slice %arg17[%dma_start3A_102, %dma_start3A_103] : memref<10000x80xf32, #tpu.memory_space<vmem_shared>> -> memref<10000x80xf32, #tpu.memory_space<vmem_shared>>
          tpu.enqueue_indirect_dma source(%arg10 : memref<80x80xf32, #tpu.memory_space<vmem>>) target(%dma_start3A_104 : memref<10000x80xf32, #tpu.memory_space<vmem_shared>>) offsets(%dma_start3A_101 : memref<80xi32, #tpu.memory_space<vmem>>) semaphore(%run_scoped3A : memref<!tpu.dma_semaphore, #tpu.memory_space<semaphore_mem>>) {add = true}
          %dma_wait3A_105 = arith.constant 0 : i32
          %dma_wait3A_106 = tpu.memref_slice %arg8[%add3A_59, %dma_wait3A_105] : memref<250x80xi32, #tpu.memory_space<vmem>> -> memref<1x80xi32, #tpu.memory_space<vmem>>
          %dma_wait3A_107 = tpu.memref_squeeze %dma_wait3A_106 : memref<1x80xi32, #tpu.memory_space<vmem>> -> memref<80xi32, #tpu.memory_space<vmem>>
          %dma_wait3A_108 = arith.constant 0 : i32
          %dma_wait3A_109 = arith.constant 0 : i32
          %dma_wait3A_110 = tpu.memref_slice %arg17[%dma_wait3A_108, %dma_wait3A_109] : memref<10000x80xf32, #tpu.memory_space<vmem_shared>> -> memref<10000x80xf32, #tpu.memory_space<vmem_shared>>
          tpu.wait_indirect_dma semaphore(%run_scoped3A : memref<!tpu.dma_semaphore, #tpu.memory_space<semaphore_mem>>) src(%arg10 : memref<80x80xf32, #tpu.memory_space<vmem>>) dst(%dma_wait3A_110 : memref<10000x80xf32, #tpu.memory_space<vmem_shared>>)
          tpu.yield
        }) : () -> ()
        %add3A_92 = arith.constant 4 : i32
        %add3A_93 = arith.addi %add3A_59, %add3A_92 : i32
        %lt3A_94 = arith.constant 250 : i32
        %lt3A_95 = arith.cmpi slt, %add3A_93, %lt3A_94 : i32
        %convert_element_type3A_96 = arith.extui %lt3A_95 : i1 to i32
        %cond3A_97 = arith.constant 0 : i32
        %cond3A_98 = arith.cmpi ne, %convert_element_type3A_96, %cond3A_97 : i32
        scf.if %cond3A_98 {
          %add3A_99 = arith.constant 4 : i32
          %add3A_100 = arith.addi %add3A_59, %add3A_99 : i32
          %dma_start3A_101 = arith.constant 0 : i32
          %dma_start3A_102 = tpu.memref_slice %arg7[%add3A_100, %dma_start3A_101] : memref<250x80xi32, #tpu.memory_space<vmem>> -> memref<1x80xi32, #tpu.memory_space<vmem>>
          %dma_start3A_103 = tpu.memref_squeeze %dma_start3A_102 : memref<1x80xi32, #tpu.memory_space<vmem>> -> memref<80xi32, #tpu.memory_space<vmem>>
          %dma_start3A_104 = arith.constant 0 : i32
          %dma_start3A_105 = arith.constant 0 : i32
          %dma_start3A_106 = tpu.memref_slice %arg2[%arg0, %dma_start3A_104, %dma_start3A_105] : memref<2x10000x80xf32, #tpu.memory_space<hbm>> -> memref<1x10000x80xf32, #tpu.memory_space<hbm>>
          %dma_start3A_107 = tpu.memref_squeeze %dma_start3A_106 : memref<1x10000x80xf32, #tpu.memory_space<hbm>> -> memref<10000x80xf32, #tpu.memory_space<hbm>>
          %dma_start3A_108 = arith.constant 0 : i32
          %dma_start3A_109 = arith.constant 0 : i32
          %dma_start3A_110 = tpu.memref_slice %dma_start3A_107[%dma_start3A_108, %dma_start3A_109] : memref<10000x80xf32, #tpu.memory_space<hbm>> -> memref<10000x80xf32, #tpu.memory_space<hbm>>
          tpu.enqueue_indirect_dma source(%dma_start3A_110 : memref<10000x80xf32, #tpu.memory_space<hbm>>) target(%arg10 : memref<80x80xf32, #tpu.memory_space<vmem>>) offsets(%dma_start3A_103 : memref<80xi32, #tpu.memory_space<vmem>>) semaphore(%arg14 : memref<!tpu.dma_semaphore, #tpu.memory_space<semaphore_mem>>)
        } else {
        }
      } else {
      }
      %mul3A_65 = arith.constant 4 : i32
      %mul3A_66 = arith.muli %scan3A_50, %mul3A_65 : i32
      %add3A_67 = arith.constant 2 : i32
      %add3A_68 = arith.addi %mul3A_66, %add3A_67 : i32
      %lt3A_69 = arith.constant 250 : i32
      %lt3A_70 = arith.cmpi slt, %add3A_68, %lt3A_69 : i32
      %convert_element_type3A_71 = arith.extui %lt3A_70 : i1 to i32
      %cond3A_72 = arith.constant 0 : i32
      %cond3A_73 = arith.cmpi ne, %convert_element_type3A_71, %cond3A_72 : i32
      scf.if %cond3A_73 {
        %dma_wait3A = arith.constant 0 : i32
        %dma_wait3A_83 = tpu.memref_slice %arg7[%add3A_68, %dma_wait3A] : memref<250x80xi32, #tpu.memory_space<vmem>> -> memref<1x80xi32, #tpu.memory_space<vmem>>
        %dma_wait3A_84 = tpu.memref_squeeze %dma_wait3A_83 : memref<1x80xi32, #tpu.memory_space<vmem>> -> memref<80xi32, #tpu.memory_space<vmem>>
        %dma_wait3A_85 = arith.constant 0 : i32
        %dma_wait3A_86 = arith.constant 0 : i32
        %dma_wait3A_87 = tpu.memref_slice %arg2[%arg0, %dma_wait3A_85, %dma_wait3A_86] : memref<2x10000x80xf32, #tpu.memory_space<hbm>> -> memref<1x10000x80xf32, #tpu.memory_space<hbm>>
        %dma_wait3A_88 = tpu.memref_squeeze %dma_wait3A_87 : memref<1x10000x80xf32, #tpu.memory_space<hbm>> -> memref<10000x80xf32, #tpu.memory_space<hbm>>
        %dma_wait3A_89 = arith.constant 0 : i32
        %dma_wait3A_90 = arith.constant 0 : i32
        %dma_wait3A_91 = tpu.memref_slice %dma_wait3A_88[%dma_wait3A_89, %dma_wait3A_90] : memref<10000x80xf32, #tpu.memory_space<hbm>> -> memref<10000x80xf32, #tpu.memory_space<hbm>>
        tpu.wait_indirect_dma semaphore(%arg15 : memref<!tpu.dma_semaphore, #tpu.memory_space<semaphore_mem>>) src(%dma_wait3A_91 : memref<10000x80xf32, #tpu.memory_space<hbm>>) dst(%arg11 : memref<80x80xf32, #tpu.memory_space<vmem>>)
        "tpu.region"() ({
          %run_scoped3A = tpu.sem_alloc : memref<!tpu.dma_semaphore, #tpu.memory_space<semaphore_mem>>
          %dma_start3A_99 = arith.constant 0 : i32
          %dma_start3A_100 = tpu.memref_slice %arg8[%add3A_68, %dma_start3A_99] : memref<250x80xi32, #tpu.memory_space<vmem>> -> memref<1x80xi32, #tpu.memory_space<vmem>>
          %dma_start3A_101 = tpu.memref_squeeze %dma_start3A_100 : memref<1x80xi32, #tpu.memory_space<vmem>> -> memref<80xi32, #tpu.memory_space<vmem>>
          %dma_start3A_102 = arith.constant 0 : i32
          %dma_start3A_103 = arith.constant 0 : i32
          %dma_start3A_104 = tpu.memref_slice %arg17[%dma_start3A_102, %dma_start3A_103] : memref<10000x80xf32, #tpu.memory_space<vmem_shared>> -> memref<10000x80xf32, #tpu.memory_space<vmem_shared>>
          tpu.enqueue_indirect_dma source(%arg11 : memref<80x80xf32, #tpu.memory_space<vmem>>) target(%dma_start3A_104 : memref<10000x80xf32, #tpu.memory_space<vmem_shared>>) offsets(%dma_start3A_101 : memref<80xi32, #tpu.memory_space<vmem>>) semaphore(%run_scoped3A : memref<!tpu.dma_semaphore, #tpu.memory_space<semaphore_mem>>) {add = true}
          %dma_wait3A_105 = arith.constant 0 : i32
          %dma_wait3A_106 = tpu.memref_slice %arg8[%add3A_68, %dma_wait3A_105] : memref<250x80xi32, #tpu.memory_space<vmem>> -> memref<1x80xi32, #tpu.memory_space<vmem>>
          %dma_wait3A_107 = tpu.memref_squeeze %dma_wait3A_106 : memref<1x80xi32, #tpu.memory_space<vmem>> -> memref<80xi32, #tpu.memory_space<vmem>>
          %dma_wait3A_108 = arith.constant 0 : i32
          %dma_wait3A_109 = arith.constant 0 : i32
          %dma_wait3A_110 = tpu.memref_slice %arg17[%dma_wait3A_108, %dma_wait3A_109] : memref<10000x80xf32, #tpu.memory_space<vmem_shared>> -> memref<10000x80xf32, #tpu.memory_space<vmem_shared>>
          tpu.wait_indirect_dma semaphore(%run_scoped3A : memref<!tpu.dma_semaphore, #tpu.memory_space<semaphore_mem>>) src(%arg11 : memref<80x80xf32, #tpu.memory_space<vmem>>) dst(%dma_wait3A_110 : memref<10000x80xf32, #tpu.memory_space<vmem_shared>>)
          tpu.yield
        }) : () -> ()
        %add3A_92 = arith.constant 4 : i32
        %add3A_93 = arith.addi %add3A_68, %add3A_92 : i32
        %lt3A_94 = arith.constant 250 : i32
        %lt3A_95 = arith.cmpi slt, %add3A_93, %lt3A_94 : i32
        %convert_element_type3A_96 = arith.extui %lt3A_95 : i1 to i32
        %cond3A_97 = arith.constant 0 : i32
        %cond3A_98 = arith.cmpi ne, %convert_element_type3A_96, %cond3A_97 : i32
        scf.if %cond3A_98 {
          %add3A_99 = arith.constant 4 : i32
          %add3A_100 = arith.addi %add3A_68, %add3A_99 : i32
          %dma_start3A_101 = arith.constant 0 : i32
          %dma_start3A_102 = tpu.memref_slice %arg7[%add3A_100, %dma_start3A_101] : memref<250x80xi32, #tpu.memory_space<vmem>> -> memref<1x80xi32, #tpu.memory_space<vmem>>
          %dma_start3A_103 = tpu.memref_squeeze %dma_start3A_102 : memref<1x80xi32, #tpu.memory_space<vmem>> -> memref<80xi32, #tpu.memory_space<vmem>>
          %dma_start3A_104 = arith.constant 0 : i32
          %dma_start3A_105 = arith.constant 0 : i32
          %dma_start3A_106 = tpu.memref_slice %arg2[%arg0, %dma_start3A_104, %dma_start3A_105] : memref<2x10000x80xf32, #tpu.memory_space<hbm>> -> memref<1x10000x80xf32, #tpu.memory_space<hbm>>
          %dma_start3A_107 = tpu.memref_squeeze %dma_start3A_106 : memref<1x10000x80xf32, #tpu.memory_space<hbm>> -> memref<10000x80xf32, #tpu.memory_space<hbm>>
          %dma_start3A_108 = arith.constant 0 : i32
          %dma_start3A_109 = arith.constant 0 : i32
          %dma_start3A_110 = tpu.memref_slice %dma_start3A_107[%dma_start3A_108, %dma_start3A_109] : memref<10000x80xf32, #tpu.memory_space<hbm>> -> memref<10000x80xf32, #tpu.memory_space<hbm>>
          tpu.enqueue_indirect_dma source(%dma_start3A_110 : memref<10000x80xf32, #tpu.memory_space<hbm>>) target(%arg11 : memref<80x80xf32, #tpu.memory_space<vmem>>) offsets(%dma_start3A_103 : memref<80xi32, #tpu.memory_space<vmem>>) semaphore(%arg15 : memref<!tpu.dma_semaphore, #tpu.memory_space<semaphore_mem>>)
        } else {
        }
      } else {
      }
      %mul3A_74 = arith.constant 4 : i32
      %mul3A_75 = arith.muli %scan3A_50, %mul3A_74 : i32
      %add3A_76 = arith.constant 3 : i32
      %add3A_77 = arith.addi %mul3A_75, %add3A_76 : i32
      %lt3A_78 = arith.constant 250 : i32
      %lt3A_79 = arith.cmpi slt, %add3A_77, %lt3A_78 : i32
      %convert_element_type3A_80 = arith.extui %lt3A_79 : i1 to i32
      %cond3A_81 = arith.constant 0 : i32
      %cond3A_82 = arith.cmpi ne, %convert_element_type3A_80, %cond3A_81 : i32
      scf.if %cond3A_82 {
        %dma_wait3A = arith.constant 0 : i32
        %dma_wait3A_83 = tpu.memref_slice %arg7[%add3A_77, %dma_wait3A] : memref<250x80xi32, #tpu.memory_space<vmem>> -> memref<1x80xi32, #tpu.memory_space<vmem>>
        %dma_wait3A_84 = tpu.memref_squeeze %dma_wait3A_83 : memref<1x80xi32, #tpu.memory_space<vmem>> -> memref<80xi32, #tpu.memory_space<vmem>>
        %dma_wait3A_85 = arith.constant 0 : i32
        %dma_wait3A_86 = arith.constant 0 : i32
        %dma_wait3A_87 = tpu.memref_slice %arg2[%arg0, %dma_wait3A_85, %dma_wait3A_86] : memref<2x10000x80xf32, #tpu.memory_space<hbm>> -> memref<1x10000x80xf32, #tpu.memory_space<hbm>>
        %dma_wait3A_88 = tpu.memref_squeeze %dma_wait3A_87 : memref<1x10000x80xf32, #tpu.memory_space<hbm>> -> memref<10000x80xf32, #tpu.memory_space<hbm>>
        %dma_wait3A_89 = arith.constant 0 : i32
        %dma_wait3A_90 = arith.constant 0 : i32
        %dma_wait3A_91 = tpu.memref_slice %dma_wait3A_88[%dma_wait3A_89, %dma_wait3A_90] : memref<10000x80xf32, #tpu.memory_space<hbm>> -> memref<10000x80xf32, #tpu.memory_space<hbm>>
        tpu.wait_indirect_dma semaphore(%arg16 : memref<!tpu.dma_semaphore, #tpu.memory_space<semaphore_mem>>) src(%dma_wait3A_91 : memref<10000x80xf32, #tpu.memory_space<hbm>>) dst(%arg12 : memref<80x80xf32, #tpu.memory_space<vmem>>)
        "tpu.region"() ({
          %run_scoped3A = tpu.sem_alloc : memref<!tpu.dma_semaphore, #tpu.memory_space<semaphore_mem>>
          %dma_start3A_99 = arith.constant 0 : i32
          %dma_start3A_100 = tpu.memref_slice %arg8[%add3A_77, %dma_start3A_99] : memref<250x80xi32, #tpu.memory_space<vmem>> -> memref<1x80xi32, #tpu.memory_space<vmem>>
          %dma_start3A_101 = tpu.memref_squeeze %dma_start3A_100 : memref<1x80xi32, #tpu.memory_space<vmem>> -> memref<80xi32, #tpu.memory_space<vmem>>
          %dma_start3A_102 = arith.constant 0 : i32
          %dma_start3A_103 = arith.constant 0 : i32
          %dma_start3A_104 = tpu.memref_slice %arg17[%dma_start3A_102, %dma_start3A_103] : memref<10000x80xf32, #tpu.memory_space<vmem_shared>> -> memref<10000x80xf32, #tpu.memory_space<vmem_shared>>
          tpu.enqueue_indirect_dma source(%arg12 : memref<80x80xf32, #tpu.memory_space<vmem>>) target(%dma_start3A_104 : memref<10000x80xf32, #tpu.memory_space<vmem_shared>>) offsets(%dma_start3A_101 : memref<80xi32, #tpu.memory_space<vmem>>) semaphore(%run_scoped3A : memref<!tpu.dma_semaphore, #tpu.memory_space<semaphore_mem>>) {add = true}
          %dma_wait3A_105 = arith.constant 0 : i32
          %dma_wait3A_106 = tpu.memref_slice %arg8[%add3A_77, %dma_wait3A_105] : memref<250x80xi32, #tpu.memory_space<vmem>> -> memref<1x80xi32, #tpu.memory_space<vmem>>
          %dma_wait3A_107 = tpu.memref_squeeze %dma_wait3A_106 : memref<1x80xi32, #tpu.memory_space<vmem>> -> memref<80xi32, #tpu.memory_space<vmem>>
          %dma_wait3A_108 = arith.constant 0 : i32
          %dma_wait3A_109 = arith.constant 0 : i32
          %dma_wait3A_110 = tpu.memref_slice %arg17[%dma_wait3A_108, %dma_wait3A_109] : memref<10000x80xf32, #tpu.memory_space<vmem_shared>> -> memref<10000x80xf32, #tpu.memory_space<vmem_shared>>
          tpu.wait_indirect_dma semaphore(%run_scoped3A : memref<!tpu.dma_semaphore, #tpu.memory_space<semaphore_mem>>) src(%arg12 : memref<80x80xf32, #tpu.memory_space<vmem>>) dst(%dma_wait3A_110 : memref<10000x80xf32, #tpu.memory_space<vmem_shared>>)
          tpu.yield
        }) : () -> ()
        %add3A_92 = arith.constant 4 : i32
        %add3A_93 = arith.addi %add3A_77, %add3A_92 : i32
        %lt3A_94 = arith.constant 250 : i32
        %lt3A_95 = arith.cmpi slt, %add3A_93, %lt3A_94 : i32
        %convert_element_type3A_96 = arith.extui %lt3A_95 : i1 to i32
        %cond3A_97 = arith.constant 0 : i32
        %cond3A_98 = arith.cmpi ne, %convert_element_type3A_96, %cond3A_97 : i32
        scf.if %cond3A_98 {
          %add3A_99 = arith.constant 4 : i32
          %add3A_100 = arith.addi %add3A_77, %add3A_99 : i32
          %dma_start3A_101 = arith.constant 0 : i32
          %dma_start3A_102 = tpu.memref_slice %arg7[%add3A_100, %dma_start3A_101] : memref<250x80xi32, #tpu.memory_space<vmem>> -> memref<1x80xi32, #tpu.memory_space<vmem>>
          %dma_start3A_103 = tpu.memref_squeeze %dma_start3A_102 : memref<1x80xi32, #tpu.memory_space<vmem>> -> memref<80xi32, #tpu.memory_space<vmem>>
          %dma_start3A_104 = arith.constant 0 : i32
          %dma_start3A_105 = arith.constant 0 : i32
          %dma_start3A_106 = tpu.memref_slice %arg2[%arg0, %dma_start3A_104, %dma_start3A_105] : memref<2x10000x80xf32, #tpu.memory_space<hbm>> -> memref<1x10000x80xf32, #tpu.memory_space<hbm>>
          %dma_start3A_107 = tpu.memref_squeeze %dma_start3A_106 : memref<1x10000x80xf32, #tpu.memory_space<hbm>> -> memref<10000x80xf32, #tpu.memory_space<hbm>>
          %dma_start3A_108 = arith.constant 0 : i32
          %dma_start3A_109 = arith.constant 0 : i32
          %dma_start3A_110 = tpu.memref_slice %dma_start3A_107[%dma_start3A_108, %dma_start3A_109] : memref<10000x80xf32, #tpu.memory_space<hbm>> -> memref<10000x80xf32, #tpu.memory_space<hbm>>
          tpu.enqueue_indirect_dma source(%dma_start3A_110 : memref<10000x80xf32, #tpu.memory_space<hbm>>) target(%arg12 : memref<80x80xf32, #tpu.memory_space<vmem>>) offsets(%dma_start3A_103 : memref<80xi32, #tpu.memory_space<vmem>>) semaphore(%arg16 : memref<!tpu.dma_semaphore, #tpu.memory_space<semaphore_mem>>)
        } else {
        }
      } else {
      }
    }
    %scan3A_48 = arith.constant 63 : i32
    %barrier3A_49 = arith.constant 0 : index
    tpu.barrier barrier_id(%barrier3A_49)
    "tpu.region"() ({
      %run_scoped3A = tpu.sem_alloc : memref<!tpu.dma_semaphore, #tpu.memory_space<semaphore_mem>>
      %dma_start3A_50 = arith.constant 0 : i32
      %dma_start3A_51 = tpu.memref_slice %arg6[%arg0, %mul3A_43, %dma_start3A_50] : memref<2x10000x80xf32, #tpu.memory_space<hbm>> -> memref<1x625x80xf32, #tpu.memory_space<hbm>>
      %dma_start3A_52 = tpu.memref_squeeze %dma_start3A_51 : memref<1x625x80xf32, #tpu.memory_space<hbm>> -> memref<625x80xf32, #tpu.memory_space<hbm>>
      %dma_start3A_53 = arith.constant 0 : i32
      %dma_start3A_54 = tpu.memref_slice %arg17[%mul3A_43, %dma_start3A_53] : memref<10000x80xf32, #tpu.memory_space<vmem_shared>> -> memref<625x80xf32, #tpu.memory_space<vmem_shared>>
      tpu.enqueue_dma source(%dma_start3A_54 : memref<625x80xf32, #tpu.memory_space<vmem_shared>>) target(%dma_start3A_52 : memref<625x80xf32, #tpu.memory_space<hbm>>) target_semaphore(%run_scoped3A : memref<!tpu.dma_semaphore, #tpu.memory_space<semaphore_mem>>)
      %dma_wait3A = arith.constant 0 : i32
      %dma_wait3A_55 = tpu.memref_slice %arg6[%arg0, %mul3A_43, %dma_wait3A] : memref<2x10000x80xf32, #tpu.memory_space<hbm>> -> memref<1x625x80xf32, #tpu.memory_space<hbm>>
      %dma_wait3A_56 = tpu.memref_squeeze %dma_wait3A_55 : memref<1x625x80xf32, #tpu.memory_space<hbm>> -> memref<625x80xf32, #tpu.memory_space<hbm>>
      %dma_wait3A_57 = arith.constant 0 : i32
      %dma_wait3A_58 = tpu.memref_slice %arg17[%mul3A_43, %dma_wait3A_57] : memref<10000x80xf32, #tpu.memory_space<vmem_shared>> -> memref<625x80xf32, #tpu.memory_space<vmem_shared>>
      tpu.wait_dma2 semaphore(%run_scoped3A : memref<!tpu.dma_semaphore, #tpu.memory_space<semaphore_mem>>) src(%dma_wait3A_58 : memref<625x80xf32, #tpu.memory_space<vmem_shared>>) dst(%dma_wait3A_56 : memref<625x80xf32, #tpu.memory_space<hbm>>)
      tpu.yield
    }) : () -> ()
    return
  }
}

#map = affine_map<(d0, d1) -> (0, 0, 0)>
#map1 = affine_map<(d0, d1) -> (0, 0)>
#map2 = affine_map<(d0, d1) -> (0)>
module attributes {stable_mosaic.version = 14 : i64} {
  func.func @_sc_body_deg(%arg0: i32, %arg1: i32, %arg2: memref<2x10000x80xf32, #tpu.memory_space<hbm>>, %arg3: memref<16x250x80xi32, #tpu.memory_space<hbm>>, %arg4: memref<16x250x80xi32, #tpu.memory_space<hbm>>, %arg5: memref<10000x80xf32, #tpu.memory_space<hbm>>, %arg6: memref<10000xf32, #tpu.memory_space<hbm>>, %arg7: memref<2x10000x80xf32, #tpu.memory_space<hbm>>, %arg8: memref<16x10000xf32, #tpu.memory_space<hbm>>, %arg9: memref<250x80xi32, #tpu.memory_space<vmem>>, %arg10: memref<250x80xi32, #tpu.memory_space<vmem>>, %arg11: memref<80x80xf32, #tpu.memory_space<vmem>>, %arg12: memref<80x80xf32, #tpu.memory_space<vmem>>, %arg13: memref<80x80xf32, #tpu.memory_space<vmem>>, %arg14: memref<!tpu.dma_semaphore, #tpu.memory_space<semaphore_mem>>, %arg15: memref<!tpu.dma_semaphore, #tpu.memory_space<semaphore_mem>>, %arg16: memref<!tpu.dma_semaphore, #tpu.memory_space<semaphore_mem>>, %arg17: memref<10000xf32, #tpu.memory_space<vmem>>, %arg18: memref<10000x80xf32, #tpu.memory_space<vmem_shared>>) attributes {dimension_semantics = [#tpu.dimension_semantics<core_parallel>, #tpu.dimension_semantics<subcore_parallel>], iteration_bounds = array<i64: 2, 16>, scalar_prefetch = 0 : i64, scratch_operands = 10 : i64, tpu.core_type = #tpu.core_type<sc_vector_subcore>, window_params = [{transform_indices = #map}, {transform_indices = #map}, {transform_indices = #map}, {transform_indices = #map1}, {transform_indices = #map2}, {transform_indices = #map}, {transform_indices = #map1}]} {
    "tpu.region"() ({
      %run_scoped3A = tpu.sem_alloc : memref<!tpu.dma_semaphore, #tpu.memory_space<semaphore_mem>>
      %dma_start3A_42 = arith.constant 0 : i32
      %dma_start3A_43 = arith.constant 0 : i32
      %dma_start3A_44 = tpu.memref_slice %arg3[%arg1, %dma_start3A_42, %dma_start3A_43] : memref<16x250x80xi32, #tpu.memory_space<hbm>> -> memref<1x250x80xi32, #tpu.memory_space<hbm>>
      %dma_start3A_45 = tpu.memref_squeeze %dma_start3A_44 : memref<1x250x80xi32, #tpu.memory_space<hbm>> -> memref<250x80xi32, #tpu.memory_space<hbm>>
      %dma_start3A_46 = arith.constant 0 : i32
      %dma_start3A_47 = arith.constant 0 : i32
      %dma_start3A_48 = tpu.memref_slice %arg3[%arg1, %dma_start3A_46, %dma_start3A_47] : memref<16x250x80xi32, #tpu.memory_space<hbm>> -> memref<1x250x80xi32, #tpu.memory_space<hbm>>
      %dma_start3A_49 = tpu.memref_squeeze %dma_start3A_48 : memref<1x250x80xi32, #tpu.memory_space<hbm>> -> memref<250x80xi32, #tpu.memory_space<hbm>>
      tpu.enqueue_dma source(%dma_start3A_49 : memref<250x80xi32, #tpu.memory_space<hbm>>) target(%arg9 : memref<250x80xi32, #tpu.memory_space<vmem>>) target_semaphore(%run_scoped3A : memref<!tpu.dma_semaphore, #tpu.memory_space<semaphore_mem>>)
      %dma_wait3A = arith.constant 0 : i32
      %dma_wait3A_50 = arith.constant 0 : i32
      %dma_wait3A_51 = tpu.memref_slice %arg3[%arg1, %dma_wait3A, %dma_wait3A_50] : memref<16x250x80xi32, #tpu.memory_space<hbm>> -> memref<1x250x80xi32, #tpu.memory_space<hbm>>
      %dma_wait3A_52 = tpu.memref_squeeze %dma_wait3A_51 : memref<1x250x80xi32, #tpu.memory_space<hbm>> -> memref<250x80xi32, #tpu.memory_space<hbm>>
      %dma_wait3A_53 = arith.constant 0 : i32
      %dma_wait3A_54 = arith.constant 0 : i32
      %dma_wait3A_55 = tpu.memref_slice %arg3[%arg1, %dma_wait3A_53, %dma_wait3A_54] : memref<16x250x80xi32, #tpu.memory_space<hbm>> -> memref<1x250x80xi32, #tpu.memory_space<hbm>>
      %dma_wait3A_56 = tpu.memref_squeeze %dma_wait3A_55 : memref<1x250x80xi32, #tpu.memory_space<hbm>> -> memref<250x80xi32, #tpu.memory_space<hbm>>
      tpu.wait_dma2 semaphore(%run_scoped3A : memref<!tpu.dma_semaphore, #tpu.memory_space<semaphore_mem>>) src(%dma_wait3A_56 : memref<250x80xi32, #tpu.memory_space<hbm>>) dst(%arg9 : memref<250x80xi32, #tpu.memory_space<vmem>>)
      tpu.yield
    }) : () -> ()
    "tpu.region"() ({
      %run_scoped3A = tpu.sem_alloc : memref<!tpu.dma_semaphore, #tpu.memory_space<semaphore_mem>>
      %dma_start3A_42 = arith.constant 0 : i32
      %dma_start3A_43 = arith.constant 0 : i32
      %dma_start3A_44 = tpu.memref_slice %arg4[%arg1, %dma_start3A_42, %dma_start3A_43] : memref<16x250x80xi32, #tpu.memory_space<hbm>> -> memref<1x250x80xi32, #tpu.memory_space<hbm>>
      %dma_start3A_45 = tpu.memref_squeeze %dma_start3A_44 : memref<1x250x80xi32, #tpu.memory_space<hbm>> -> memref<250x80xi32, #tpu.memory_space<hbm>>
      %dma_start3A_46 = arith.constant 0 : i32
      %dma_start3A_47 = arith.constant 0 : i32
      %dma_start3A_48 = tpu.memref_slice %arg4[%arg1, %dma_start3A_46, %dma_start3A_47] : memref<16x250x80xi32, #tpu.memory_space<hbm>> -> memref<1x250x80xi32, #tpu.memory_space<hbm>>
      %dma_start3A_49 = tpu.memref_squeeze %dma_start3A_48 : memref<1x250x80xi32, #tpu.memory_space<hbm>> -> memref<250x80xi32, #tpu.memory_space<hbm>>
      tpu.enqueue_dma source(%dma_start3A_49 : memref<250x80xi32, #tpu.memory_space<hbm>>) target(%arg10 : memref<250x80xi32, #tpu.memory_space<vmem>>) target_semaphore(%run_scoped3A : memref<!tpu.dma_semaphore, #tpu.memory_space<semaphore_mem>>)
      %dma_wait3A = arith.constant 0 : i32
      %dma_wait3A_50 = arith.constant 0 : i32
      %dma_wait3A_51 = tpu.memref_slice %arg4[%arg1, %dma_wait3A, %dma_wait3A_50] : memref<16x250x80xi32, #tpu.memory_space<hbm>> -> memref<1x250x80xi32, #tpu.memory_space<hbm>>
      %dma_wait3A_52 = tpu.memref_squeeze %dma_wait3A_51 : memref<1x250x80xi32, #tpu.memory_space<hbm>> -> memref<250x80xi32, #tpu.memory_space<hbm>>
      %dma_wait3A_53 = arith.constant 0 : i32
      %dma_wait3A_54 = arith.constant 0 : i32
      %dma_wait3A_55 = tpu.memref_slice %arg4[%arg1, %dma_wait3A_53, %dma_wait3A_54] : memref<16x250x80xi32, #tpu.memory_space<hbm>> -> memref<1x250x80xi32, #tpu.memory_space<hbm>>
      %dma_wait3A_56 = tpu.memref_squeeze %dma_wait3A_55 : memref<1x250x80xi32, #tpu.memory_space<hbm>> -> memref<250x80xi32, #tpu.memory_space<hbm>>
      tpu.wait_dma2 semaphore(%run_scoped3A : memref<!tpu.dma_semaphore, #tpu.memory_space<semaphore_mem>>) src(%dma_wait3A_56 : memref<250x80xi32, #tpu.memory_space<hbm>>) dst(%arg10 : memref<250x80xi32, #tpu.memory_space<vmem>>)
      tpu.yield
    }) : () -> ()
    %dma_start3A = arith.constant 0 : i32
    %dma_start3A_0 = arith.constant 0 : i32
    %dma_start3A_1 = tpu.memref_slice %arg9[%dma_start3A, %dma_start3A_0] : memref<250x80xi32, #tpu.memory_space<vmem>> -> memref<1x80xi32, #tpu.memory_space<vmem>>
    %dma_start3A_2 = tpu.memref_squeeze %dma_start3A_1 : memref<1x80xi32, #tpu.memory_space<vmem>> -> memref<80xi32, #tpu.memory_space<vmem>>
    %dma_start3A_3 = arith.constant 0 : i32
    %dma_start3A_4 = arith.constant 0 : i32
    %dma_start3A_5 = tpu.memref_slice %arg2[%arg0, %dma_start3A_3, %dma_start3A_4] : memref<2x10000x80xf32, #tpu.memory_space<hbm>> -> memref<1x10000x80xf32, #tpu.memory_space<hbm>>
    %dma_start3A_6 = tpu.memref_squeeze %dma_start3A_5 : memref<1x10000x80xf32, #tpu.memory_space<hbm>> -> memref<10000x80xf32, #tpu.memory_space<hbm>>
    %dma_start3A_7 = arith.constant 0 : i32
    %dma_start3A_8 = arith.constant 0 : i32
    %dma_start3A_9 = tpu.memref_slice %dma_start3A_6[%dma_start3A_7, %dma_start3A_8] : memref<10000x80xf32, #tpu.memory_space<hbm>> -> memref<10000x80xf32, #tpu.memory_space<hbm>>
    tpu.enqueue_indirect_dma source(%dma_start3A_9 : memref<10000x80xf32, #tpu.memory_space<hbm>>) target(%arg11 : memref<80x80xf32, #tpu.memory_space<vmem>>) offsets(%dma_start3A_2 : memref<80xi32, #tpu.memory_space<vmem>>) semaphore(%arg14 : memref<!tpu.dma_semaphore, #tpu.memory_space<semaphore_mem>>)
    %dma_start3A_10 = arith.constant 1 : i32
    %dma_start3A_11 = arith.constant 0 : i32
    %dma_start3A_12 = tpu.memref_slice %arg9[%dma_start3A_10, %dma_start3A_11] : memref<250x80xi32, #tpu.memory_space<vmem>> -> memref<1x80xi32, #tpu.memory_space<vmem>>
    %dma_start3A_13 = tpu.memref_squeeze %dma_start3A_12 : memref<1x80xi32, #tpu.memory_space<vmem>> -> memref<80xi32, #tpu.memory_space<vmem>>
    %dma_start3A_14 = arith.constant 0 : i32
    %dma_start3A_15 = arith.constant 0 : i32
    %dma_start3A_16 = tpu.memref_slice %arg2[%arg0, %dma_start3A_14, %dma_start3A_15] : memref<2x10000x80xf32, #tpu.memory_space<hbm>> -> memref<1x10000x80xf32, #tpu.memory_space<hbm>>
    %dma_start3A_17 = tpu.memref_squeeze %dma_start3A_16 : memref<1x10000x80xf32, #tpu.memory_space<hbm>> -> memref<10000x80xf32, #tpu.memory_space<hbm>>
    %dma_start3A_18 = arith.constant 0 : i32
    %dma_start3A_19 = arith.constant 0 : i32
    %dma_start3A_20 = tpu.memref_slice %dma_start3A_17[%dma_start3A_18, %dma_start3A_19] : memref<10000x80xf32, #tpu.memory_space<hbm>> -> memref<10000x80xf32, #tpu.memory_space<hbm>>
    tpu.enqueue_indirect_dma source(%dma_start3A_20 : memref<10000x80xf32, #tpu.memory_space<hbm>>) target(%arg12 : memref<80x80xf32, #tpu.memory_space<vmem>>) offsets(%dma_start3A_13 : memref<80xi32, #tpu.memory_space<vmem>>) semaphore(%arg15 : memref<!tpu.dma_semaphore, #tpu.memory_space<semaphore_mem>>)
    %dma_start3A_21 = arith.constant 2 : i32
    %dma_start3A_22 = arith.constant 0 : i32
    %dma_start3A_23 = tpu.memref_slice %arg9[%dma_start3A_21, %dma_start3A_22] : memref<250x80xi32, #tpu.memory_space<vmem>> -> memref<1x80xi32, #tpu.memory_space<vmem>>
    %dma_start3A_24 = tpu.memref_squeeze %dma_start3A_23 : memref<1x80xi32, #tpu.memory_space<vmem>> -> memref<80xi32, #tpu.memory_space<vmem>>
    %dma_start3A_25 = arith.constant 0 : i32
    %dma_start3A_26 = arith.constant 0 : i32
    %dma_start3A_27 = tpu.memref_slice %arg2[%arg0, %dma_start3A_25, %dma_start3A_26] : memref<2x10000x80xf32, #tpu.memory_space<hbm>> -> memref<1x10000x80xf32, #tpu.memory_space<hbm>>
    %dma_start3A_28 = tpu.memref_squeeze %dma_start3A_27 : memref<1x10000x80xf32, #tpu.memory_space<hbm>> -> memref<10000x80xf32, #tpu.memory_space<hbm>>
    %dma_start3A_29 = arith.constant 0 : i32
    %dma_start3A_30 = arith.constant 0 : i32
    %dma_start3A_31 = tpu.memref_slice %dma_start3A_28[%dma_start3A_29, %dma_start3A_30] : memref<10000x80xf32, #tpu.memory_space<hbm>> -> memref<10000x80xf32, #tpu.memory_space<hbm>>
    tpu.enqueue_indirect_dma source(%dma_start3A_31 : memref<10000x80xf32, #tpu.memory_space<hbm>>) target(%arg13 : memref<80x80xf32, #tpu.memory_space<vmem>>) offsets(%dma_start3A_24 : memref<80xi32, #tpu.memory_space<vmem>>) semaphore(%arg16 : memref<!tpu.dma_semaphore, #tpu.memory_space<semaphore_mem>>)
    %mul3A = arith.constant 625 : i32
    %mul3A_32 = arith.muli %arg1, %mul3A : i32
    "tpu.region"() ({
      %run_scoped3A = tpu.sem_alloc : memref<!tpu.dma_semaphore, #tpu.memory_space<semaphore_mem>>
      %dma_start3A_42 = arith.constant 0 : i32
      %dma_start3A_43 = tpu.memref_slice %arg18[%mul3A_32, %dma_start3A_42] : memref<10000x80xf32, #tpu.memory_space<vmem_shared>> -> memref<625x80xf32, #tpu.memory_space<vmem_shared>>
      %dma_start3A_44 = arith.constant 0 : i32
      %dma_start3A_45 = tpu.memref_slice %arg5[%mul3A_32, %dma_start3A_44] : memref<10000x80xf32, #tpu.memory_space<hbm>> -> memref<625x80xf32, #tpu.memory_space<hbm>>
      tpu.enqueue_dma source(%dma_start3A_45 : memref<625x80xf32, #tpu.memory_space<hbm>>) target(%dma_start3A_43 : memref<625x80xf32, #tpu.memory_space<vmem_shared>>) target_semaphore(%run_scoped3A : memref<!tpu.dma_semaphore, #tpu.memory_space<semaphore_mem>>)
      %dma_wait3A = arith.constant 0 : i32
      %dma_wait3A_46 = tpu.memref_slice %arg18[%mul3A_32, %dma_wait3A] : memref<10000x80xf32, #tpu.memory_space<vmem_shared>> -> memref<625x80xf32, #tpu.memory_space<vmem_shared>>
      %dma_wait3A_47 = arith.constant 0 : i32
      %dma_wait3A_48 = tpu.memref_slice %arg5[%mul3A_32, %dma_wait3A_47] : memref<10000x80xf32, #tpu.memory_space<hbm>> -> memref<625x80xf32, #tpu.memory_space<hbm>>
      tpu.wait_dma2 semaphore(%run_scoped3A : memref<!tpu.dma_semaphore, #tpu.memory_space<semaphore_mem>>) src(%dma_wait3A_48 : memref<625x80xf32, #tpu.memory_space<hbm>>) dst(%dma_wait3A_46 : memref<625x80xf32, #tpu.memory_space<vmem_shared>>)
      tpu.yield
    }) : () -> ()
    "tpu.region"() ({
      %run_scoped3A = tpu.sem_alloc : memref<!tpu.dma_semaphore, #tpu.memory_space<semaphore_mem>>
      tpu.enqueue_dma source(%arg6 : memref<10000xf32, #tpu.memory_space<hbm>>) target(%arg17 : memref<10000xf32, #tpu.memory_space<vmem>>) target_semaphore(%run_scoped3A : memref<!tpu.dma_semaphore, #tpu.memory_space<semaphore_mem>>)
      tpu.wait_dma2 semaphore(%run_scoped3A : memref<!tpu.dma_semaphore, #tpu.memory_space<semaphore_mem>>) src(%arg6 : memref<10000xf32, #tpu.memory_space<hbm>>) dst(%arg17 : memref<10000xf32, #tpu.memory_space<vmem>>)
      tpu.yield
    }) : () -> ()
    %barrier3A = arith.constant 0 : index
    tpu.barrier barrier_id(%barrier3A)
    %broadcast_in_dim3A = arith.constant 1.000000e+00 : f32
    %broadcast_in_dim3A_33 = vector.broadcast %broadcast_in_dim3A : f32 to vector<16xf32>
    %scan3A = arith.constant 0 : i32
    %scan3A_34 = arith.constant 0 : i32
    %scan3A_35 = arith.constant 84 : i32
    %scan3A_36 = arith.addi %scan3A_34, %scan3A_35 : i32
    %scan3A_37 = arith.constant 1 : i32
    scf.for %scan3A_42 = %scan3A_34 to %scan3A_36 step %scan3A_37  : i32 {
      %mul3A_43 = arith.constant 3 : i32
      %mul3A_44 = arith.muli %scan3A_42, %mul3A_43 : i32
      %add3A = arith.constant 0 : i32
      %add3A_45 = arith.addi %mul3A_44, %add3A : i32
      %lt3A = arith.constant 250 : i32
      %lt3A_46 = arith.cmpi slt, %add3A_45, %lt3A : i32
      %convert_element_type3A_47 = arith.extui %lt3A_46 : i1 to i32
      %cond3A_48 = arith.constant 0 : i32
      %cond3A_49 = arith.cmpi ne, %convert_element_type3A_47, %cond3A_48 : i32
      scf.if %cond3A_49 {
        %dma_wait3A = arith.constant 0 : i32
        %dma_wait3A_68 = tpu.memref_slice %arg9[%add3A_45, %dma_wait3A] : memref<250x80xi32, #tpu.memory_space<vmem>> -> memref<1x80xi32, #tpu.memory_space<vmem>>
        %dma_wait3A_69 = tpu.memref_squeeze %dma_wait3A_68 : memref<1x80xi32, #tpu.memory_space<vmem>> -> memref<80xi32, #tpu.memory_space<vmem>>
        %dma_wait3A_70 = arith.constant 0 : i32
        %dma_wait3A_71 = arith.constant 0 : i32
        %dma_wait3A_72 = tpu.memref_slice %arg2[%arg0, %dma_wait3A_70, %dma_wait3A_71] : memref<2x10000x80xf32, #tpu.memory_space<hbm>> -> memref<1x10000x80xf32, #tpu.memory_space<hbm>>
        %dma_wait3A_73 = tpu.memref_squeeze %dma_wait3A_72 : memref<1x10000x80xf32, #tpu.memory_space<hbm>> -> memref<10000x80xf32, #tpu.memory_space<hbm>>
        %dma_wait3A_74 = arith.constant 0 : i32
        %dma_wait3A_75 = arith.constant 0 : i32
        %dma_wait3A_76 = tpu.memref_slice %dma_wait3A_73[%dma_wait3A_74, %dma_wait3A_75] : memref<10000x80xf32, #tpu.memory_space<hbm>> -> memref<10000x80xf32, #tpu.memory_space<hbm>>
        tpu.wait_indirect_dma semaphore(%arg14 : memref<!tpu.dma_semaphore, #tpu.memory_space<semaphore_mem>>) src(%dma_wait3A_76 : memref<10000x80xf32, #tpu.memory_space<hbm>>) dst(%arg11 : memref<80x80xf32, #tpu.memory_space<vmem>>)
        "tpu.region"() ({
          %run_scoped3A = tpu.sem_alloc : memref<!tpu.dma_semaphore, #tpu.memory_space<semaphore_mem>>
          %dma_start3A_89 = arith.constant 0 : i32
          %dma_start3A_90 = tpu.memref_slice %arg10[%add3A_45, %dma_start3A_89] : memref<250x80xi32, #tpu.memory_space<vmem>> -> memref<1x80xi32, #tpu.memory_space<vmem>>
          %dma_start3A_91 = tpu.memref_squeeze %dma_start3A_90 : memref<1x80xi32, #tpu.memory_space<vmem>> -> memref<80xi32, #tpu.memory_space<vmem>>
          %dma_start3A_92 = arith.constant 0 : i32
          %dma_start3A_93 = arith.constant 0 : i32
          %dma_start3A_94 = tpu.memref_slice %arg18[%dma_start3A_92, %dma_start3A_93] : memref<10000x80xf32, #tpu.memory_space<vmem_shared>> -> memref<10000x80xf32, #tpu.memory_space<vmem_shared>>
          tpu.enqueue_indirect_dma source(%arg11 : memref<80x80xf32, #tpu.memory_space<vmem>>) target(%dma_start3A_94 : memref<10000x80xf32, #tpu.memory_space<vmem_shared>>) offsets(%dma_start3A_91 : memref<80xi32, #tpu.memory_space<vmem>>) semaphore(%run_scoped3A : memref<!tpu.dma_semaphore, #tpu.memory_space<semaphore_mem>>) {add = true}
          %dma_wait3A_95 = arith.constant 0 : i32
          %dma_wait3A_96 = tpu.memref_slice %arg10[%add3A_45, %dma_wait3A_95] : memref<250x80xi32, #tpu.memory_space<vmem>> -> memref<1x80xi32, #tpu.memory_space<vmem>>
          %dma_wait3A_97 = tpu.memref_squeeze %dma_wait3A_96 : memref<1x80xi32, #tpu.memory_space<vmem>> -> memref<80xi32, #tpu.memory_space<vmem>>
          %dma_wait3A_98 = arith.constant 0 : i32
          %dma_wait3A_99 = arith.constant 0 : i32
          %dma_wait3A_100 = tpu.memref_slice %arg18[%dma_wait3A_98, %dma_wait3A_99] : memref<10000x80xf32, #tpu.memory_space<vmem_shared>> -> memref<10000x80xf32, #tpu.memory_space<vmem_shared>>
          tpu.wait_indirect_dma semaphore(%run_scoped3A : memref<!tpu.dma_semaphore, #tpu.memory_space<semaphore_mem>>) src(%arg11 : memref<80x80xf32, #tpu.memory_space<vmem>>) dst(%dma_wait3A_100 : memref<10000x80xf32, #tpu.memory_space<vmem_shared>>)
          tpu.yield
        }) : () -> ()
        %eq3A_77 = arith.constant 0 : i32
        %eq3A_78 = arith.cmpi eq, %arg0, %eq3A_77 : i32
        %convert_element_type3A_79 = arith.extui %eq3A_78 : i1 to i32
        %cond3A_80 = arith.constant 0 : i32
        %cond3A_81 = arith.cmpi ne, %convert_element_type3A_79, %cond3A_80 : i32
        scf.if %cond3A_81 {
          %get3A = arith.index_cast %add3A_45 : i32 to index
          %get3A_89 = arith.constant 0 : index
          %get3A_90 = tpu.vector_load %arg10[%get3A, %get3A_89] {strides = array<i32>} : memref<250x80xi32, #tpu.memory_space<vmem>>, vector<16xi32>,
          tpu.vector_store_idx %arg17[%get3A_90], %broadcast_in_dim3A_33 {add = true} : memref<10000xf32, #tpu.memory_space<vmem>>[vector<16xi32>], vector<16xf32>,
          %get3A_91 = arith.index_cast %add3A_45 : i32 to index
          %get3A_92 = arith.constant 16 : index
          %get3A_93 = tpu.vector_load %arg10[%get3A_91, %get3A_92] {strides = array<i32>} : memref<250x80xi32, #tpu.memory_space<vmem>>, vector<16xi32>,
          tpu.vector_store_idx %arg17[%get3A_93], %broadcast_in_dim3A_33 {add = true} : memref<10000xf32, #tpu.memory_space<vmem>>[vector<16xi32>], vector<16xf32>,
          %get3A_94 = arith.index_cast %add3A_45 : i32 to index
          %get3A_95 = arith.constant 32 : index
          %get3A_96 = tpu.vector_load %arg10[%get3A_94, %get3A_95] {strides = array<i32>} : memref<250x80xi32, #tpu.memory_space<vmem>>, vector<16xi32>,
          tpu.vector_store_idx %arg17[%get3A_96], %broadcast_in_dim3A_33 {add = true} : memref<10000xf32, #tpu.memory_space<vmem>>[vector<16xi32>], vector<16xf32>,
          %get3A_97 = arith.index_cast %add3A_45 : i32 to index
          %get3A_98 = arith.constant 48 : index
          %get3A_99 = tpu.vector_load %arg10[%get3A_97, %get3A_98] {strides = array<i32>} : memref<250x80xi32, #tpu.memory_space<vmem>>, vector<16xi32>,
          tpu.vector_store_idx %arg17[%get3A_99], %broadcast_in_dim3A_33 {add = true} : memref<10000xf32, #tpu.memory_space<vmem>>[vector<16xi32>], vector<16xf32>,
          %get3A_100 = arith.index_cast %add3A_45 : i32 to index
          %get3A_101 = arith.constant 64 : index
          %get3A_102 = tpu.vector_load %arg10[%get3A_100, %get3A_101] {strides = array<i32>} : memref<250x80xi32, #tpu.memory_space<vmem>>, vector<16xi32>,
          tpu.vector_store_idx %arg17[%get3A_102], %broadcast_in_dim3A_33 {add = true} : memref<10000xf32, #tpu.memory_space<vmem>>[vector<16xi32>], vector<16xf32>,
        } else {
        }
        %add3A_82 = arith.constant 3 : i32
        %add3A_83 = arith.addi %add3A_45, %add3A_82 : i32
        %lt3A_84 = arith.constant 250 : i32
        %lt3A_85 = arith.cmpi slt, %add3A_83, %lt3A_84 : i32
        %convert_element_type3A_86 = arith.extui %lt3A_85 : i1 to i32
        %cond3A_87 = arith.constant 0 : i32
        %cond3A_88 = arith.cmpi ne, %convert_element_type3A_86, %cond3A_87 : i32
        scf.if %cond3A_88 {
          %add3A_89 = arith.constant 3 : i32
          %add3A_90 = arith.addi %add3A_45, %add3A_89 : i32
          %dma_start3A_91 = arith.constant 0 : i32
          %dma_start3A_92 = tpu.memref_slice %arg9[%add3A_90, %dma_start3A_91] : memref<250x80xi32, #tpu.memory_space<vmem>> -> memref<1x80xi32, #tpu.memory_space<vmem>>
          %dma_start3A_93 = tpu.memref_squeeze %dma_start3A_92 : memref<1x80xi32, #tpu.memory_space<vmem>> -> memref<80xi32, #tpu.memory_space<vmem>>
          %dma_start3A_94 = arith.constant 0 : i32
          %dma_start3A_95 = arith.constant 0 : i32
          %dma_start3A_96 = tpu.memref_slice %arg2[%arg0, %dma_start3A_94, %dma_start3A_95] : memref<2x10000x80xf32, #tpu.memory_space<hbm>> -> memref<1x10000x80xf32, #tpu.memory_space<hbm>>
          %dma_start3A_97 = tpu.memref_squeeze %dma_start3A_96 : memref<1x10000x80xf32, #tpu.memory_space<hbm>> -> memref<10000x80xf32, #tpu.memory_space<hbm>>
          %dma_start3A_98 = arith.constant 0 : i32
          %dma_start3A_99 = arith.constant 0 : i32
          %dma_start3A_100 = tpu.memref_slice %dma_start3A_97[%dma_start3A_98, %dma_start3A_99] : memref<10000x80xf32, #tpu.memory_space<hbm>> -> memref<10000x80xf32, #tpu.memory_space<hbm>>
          tpu.enqueue_indirect_dma source(%dma_start3A_100 : memref<10000x80xf32, #tpu.memory_space<hbm>>) target(%arg11 : memref<80x80xf32, #tpu.memory_space<vmem>>) offsets(%dma_start3A_93 : memref<80xi32, #tpu.memory_space<vmem>>) semaphore(%arg14 : memref<!tpu.dma_semaphore, #tpu.memory_space<semaphore_mem>>)
        } else {
        }
      } else {
      }
      %mul3A_50 = arith.constant 3 : i32
      %mul3A_51 = arith.muli %scan3A_42, %mul3A_50 : i32
      %add3A_52 = arith.constant 1 : i32
      %add3A_53 = arith.addi %mul3A_51, %add3A_52 : i32
      %lt3A_54 = arith.constant 250 : i32
      %lt3A_55 = arith.cmpi slt, %add3A_53, %lt3A_54 : i32
      %convert_element_type3A_56 = arith.extui %lt3A_55 : i1 to i32
      %cond3A_57 = arith.constant 0 : i32
      %cond3A_58 = arith.cmpi ne, %convert_element_type3A_56, %cond3A_57 : i32
      scf.if %cond3A_58 {
        %dma_wait3A = arith.constant 0 : i32
        %dma_wait3A_68 = tpu.memref_slice %arg9[%add3A_53, %dma_wait3A] : memref<250x80xi32, #tpu.memory_space<vmem>> -> memref<1x80xi32, #tpu.memory_space<vmem>>
        %dma_wait3A_69 = tpu.memref_squeeze %dma_wait3A_68 : memref<1x80xi32, #tpu.memory_space<vmem>> -> memref<80xi32, #tpu.memory_space<vmem>>
        %dma_wait3A_70 = arith.constant 0 : i32
        %dma_wait3A_71 = arith.constant 0 : i32
        %dma_wait3A_72 = tpu.memref_slice %arg2[%arg0, %dma_wait3A_70, %dma_wait3A_71] : memref<2x10000x80xf32, #tpu.memory_space<hbm>> -> memref<1x10000x80xf32, #tpu.memory_space<hbm>>
        %dma_wait3A_73 = tpu.memref_squeeze %dma_wait3A_72 : memref<1x10000x80xf32, #tpu.memory_space<hbm>> -> memref<10000x80xf32, #tpu.memory_space<hbm>>
        %dma_wait3A_74 = arith.constant 0 : i32
        %dma_wait3A_75 = arith.constant 0 : i32
        %dma_wait3A_76 = tpu.memref_slice %dma_wait3A_73[%dma_wait3A_74, %dma_wait3A_75] : memref<10000x80xf32, #tpu.memory_space<hbm>> -> memref<10000x80xf32, #tpu.memory_space<hbm>>
        tpu.wait_indirect_dma semaphore(%arg15 : memref<!tpu.dma_semaphore, #tpu.memory_space<semaphore_mem>>) src(%dma_wait3A_76 : memref<10000x80xf32, #tpu.memory_space<hbm>>) dst(%arg12 : memref<80x80xf32, #tpu.memory_space<vmem>>)
        "tpu.region"() ({
          %run_scoped3A = tpu.sem_alloc : memref<!tpu.dma_semaphore, #tpu.memory_space<semaphore_mem>>
          %dma_start3A_89 = arith.constant 0 : i32
          %dma_start3A_90 = tpu.memref_slice %arg10[%add3A_53, %dma_start3A_89] : memref<250x80xi32, #tpu.memory_space<vmem>> -> memref<1x80xi32, #tpu.memory_space<vmem>>
          %dma_start3A_91 = tpu.memref_squeeze %dma_start3A_90 : memref<1x80xi32, #tpu.memory_space<vmem>> -> memref<80xi32, #tpu.memory_space<vmem>>
          %dma_start3A_92 = arith.constant 0 : i32
          %dma_start3A_93 = arith.constant 0 : i32
          %dma_start3A_94 = tpu.memref_slice %arg18[%dma_start3A_92, %dma_start3A_93] : memref<10000x80xf32, #tpu.memory_space<vmem_shared>> -> memref<10000x80xf32, #tpu.memory_space<vmem_shared>>
          tpu.enqueue_indirect_dma source(%arg12 : memref<80x80xf32, #tpu.memory_space<vmem>>) target(%dma_start3A_94 : memref<10000x80xf32, #tpu.memory_space<vmem_shared>>) offsets(%dma_start3A_91 : memref<80xi32, #tpu.memory_space<vmem>>) semaphore(%run_scoped3A : memref<!tpu.dma_semaphore, #tpu.memory_space<semaphore_mem>>) {add = true}
          %dma_wait3A_95 = arith.constant 0 : i32
          %dma_wait3A_96 = tpu.memref_slice %arg10[%add3A_53, %dma_wait3A_95] : memref<250x80xi32, #tpu.memory_space<vmem>> -> memref<1x80xi32, #tpu.memory_space<vmem>>
          %dma_wait3A_97 = tpu.memref_squeeze %dma_wait3A_96 : memref<1x80xi32, #tpu.memory_space<vmem>> -> memref<80xi32, #tpu.memory_space<vmem>>
          %dma_wait3A_98 = arith.constant 0 : i32
          %dma_wait3A_99 = arith.constant 0 : i32
          %dma_wait3A_100 = tpu.memref_slice %arg18[%dma_wait3A_98, %dma_wait3A_99] : memref<10000x80xf32, #tpu.memory_space<vmem_shared>> -> memref<10000x80xf32, #tpu.memory_space<vmem_shared>>
          tpu.wait_indirect_dma semaphore(%run_scoped3A : memref<!tpu.dma_semaphore, #tpu.memory_space<semaphore_mem>>) src(%arg12 : memref<80x80xf32, #tpu.memory_space<vmem>>) dst(%dma_wait3A_100 : memref<10000x80xf32, #tpu.memory_space<vmem_shared>>)
          tpu.yield
        }) : () -> ()
        %eq3A_77 = arith.constant 0 : i32
        %eq3A_78 = arith.cmpi eq, %arg0, %eq3A_77 : i32
        %convert_element_type3A_79 = arith.extui %eq3A_78 : i1 to i32
        %cond3A_80 = arith.constant 0 : i32
        %cond3A_81 = arith.cmpi ne, %convert_element_type3A_79, %cond3A_80 : i32
        scf.if %cond3A_81 {
          %get3A = arith.index_cast %add3A_53 : i32 to index
          %get3A_89 = arith.constant 0 : index
          %get3A_90 = tpu.vector_load %arg10[%get3A, %get3A_89] {strides = array<i32>} : memref<250x80xi32, #tpu.memory_space<vmem>>, vector<16xi32>,
          tpu.vector_store_idx %arg17[%get3A_90], %broadcast_in_dim3A_33 {add = true} : memref<10000xf32, #tpu.memory_space<vmem>>[vector<16xi32>], vector<16xf32>,
          %get3A_91 = arith.index_cast %add3A_53 : i32 to index
          %get3A_92 = arith.constant 16 : index
          %get3A_93 = tpu.vector_load %arg10[%get3A_91, %get3A_92] {strides = array<i32>} : memref<250x80xi32, #tpu.memory_space<vmem>>, vector<16xi32>,
          tpu.vector_store_idx %arg17[%get3A_93], %broadcast_in_dim3A_33 {add = true} : memref<10000xf32, #tpu.memory_space<vmem>>[vector<16xi32>], vector<16xf32>,
          %get3A_94 = arith.index_cast %add3A_53 : i32 to index
          %get3A_95 = arith.constant 32 : index
          %get3A_96 = tpu.vector_load %arg10[%get3A_94, %get3A_95] {strides = array<i32>} : memref<250x80xi32, #tpu.memory_space<vmem>>, vector<16xi32>,
          tpu.vector_store_idx %arg17[%get3A_96], %broadcast_in_dim3A_33 {add = true} : memref<10000xf32, #tpu.memory_space<vmem>>[vector<16xi32>], vector<16xf32>,
          %get3A_97 = arith.index_cast %add3A_53 : i32 to index
          %get3A_98 = arith.constant 48 : index
          %get3A_99 = tpu.vector_load %arg10[%get3A_97, %get3A_98] {strides = array<i32>} : memref<250x80xi32, #tpu.memory_space<vmem>>, vector<16xi32>,
          tpu.vector_store_idx %arg17[%get3A_99], %broadcast_in_dim3A_33 {add = true} : memref<10000xf32, #tpu.memory_space<vmem>>[vector<16xi32>], vector<16xf32>,
          %get3A_100 = arith.index_cast %add3A_53 : i32 to index
          %get3A_101 = arith.constant 64 : index
          %get3A_102 = tpu.vector_load %arg10[%get3A_100, %get3A_101] {strides = array<i32>} : memref<250x80xi32, #tpu.memory_space<vmem>>, vector<16xi32>,
          tpu.vector_store_idx %arg17[%get3A_102], %broadcast_in_dim3A_33 {add = true} : memref<10000xf32, #tpu.memory_space<vmem>>[vector<16xi32>], vector<16xf32>,
        } else {
        }
        %add3A_82 = arith.constant 3 : i32
        %add3A_83 = arith.addi %add3A_53, %add3A_82 : i32
        %lt3A_84 = arith.constant 250 : i32
        %lt3A_85 = arith.cmpi slt, %add3A_83, %lt3A_84 : i32
        %convert_element_type3A_86 = arith.extui %lt3A_85 : i1 to i32
        %cond3A_87 = arith.constant 0 : i32
        %cond3A_88 = arith.cmpi ne, %convert_element_type3A_86, %cond3A_87 : i32
        scf.if %cond3A_88 {
          %add3A_89 = arith.constant 3 : i32
          %add3A_90 = arith.addi %add3A_53, %add3A_89 : i32
          %dma_start3A_91 = arith.constant 0 : i32
          %dma_start3A_92 = tpu.memref_slice %arg9[%add3A_90, %dma_start3A_91] : memref<250x80xi32, #tpu.memory_space<vmem>> -> memref<1x80xi32, #tpu.memory_space<vmem>>
          %dma_start3A_93 = tpu.memref_squeeze %dma_start3A_92 : memref<1x80xi32, #tpu.memory_space<vmem>> -> memref<80xi32, #tpu.memory_space<vmem>>
          %dma_start3A_94 = arith.constant 0 : i32
          %dma_start3A_95 = arith.constant 0 : i32
          %dma_start3A_96 = tpu.memref_slice %arg2[%arg0, %dma_start3A_94, %dma_start3A_95] : memref<2x10000x80xf32, #tpu.memory_space<hbm>> -> memref<1x10000x80xf32, #tpu.memory_space<hbm>>
          %dma_start3A_97 = tpu.memref_squeeze %dma_start3A_96 : memref<1x10000x80xf32, #tpu.memory_space<hbm>> -> memref<10000x80xf32, #tpu.memory_space<hbm>>
          %dma_start3A_98 = arith.constant 0 : i32
          %dma_start3A_99 = arith.constant 0 : i32
          %dma_start3A_100 = tpu.memref_slice %dma_start3A_97[%dma_start3A_98, %dma_start3A_99] : memref<10000x80xf32, #tpu.memory_space<hbm>> -> memref<10000x80xf32, #tpu.memory_space<hbm>>
          tpu.enqueue_indirect_dma source(%dma_start3A_100 : memref<10000x80xf32, #tpu.memory_space<hbm>>) target(%arg12 : memref<80x80xf32, #tpu.memory_space<vmem>>) offsets(%dma_start3A_93 : memref<80xi32, #tpu.memory_space<vmem>>) semaphore(%arg15 : memref<!tpu.dma_semaphore, #tpu.memory_space<semaphore_mem>>)
        } else {
        }
      } else {
      }
      %mul3A_59 = arith.constant 3 : i32
      %mul3A_60 = arith.muli %scan3A_42, %mul3A_59 : i32
      %add3A_61 = arith.constant 2 : i32
      %add3A_62 = arith.addi %mul3A_60, %add3A_61 : i32
      %lt3A_63 = arith.constant 250 : i32
      %lt3A_64 = arith.cmpi slt, %add3A_62, %lt3A_63 : i32
      %convert_element_type3A_65 = arith.extui %lt3A_64 : i1 to i32
      %cond3A_66 = arith.constant 0 : i32
      %cond3A_67 = arith.cmpi ne, %convert_element_type3A_65, %cond3A_66 : i32
      scf.if %cond3A_67 {
        %dma_wait3A = arith.constant 0 : i32
        %dma_wait3A_68 = tpu.memref_slice %arg9[%add3A_62, %dma_wait3A] : memref<250x80xi32, #tpu.memory_space<vmem>> -> memref<1x80xi32, #tpu.memory_space<vmem>>
        %dma_wait3A_69 = tpu.memref_squeeze %dma_wait3A_68 : memref<1x80xi32, #tpu.memory_space<vmem>> -> memref<80xi32, #tpu.memory_space<vmem>>
        %dma_wait3A_70 = arith.constant 0 : i32
        %dma_wait3A_71 = arith.constant 0 : i32
        %dma_wait3A_72 = tpu.memref_slice %arg2[%arg0, %dma_wait3A_70, %dma_wait3A_71] : memref<2x10000x80xf32, #tpu.memory_space<hbm>> -> memref<1x10000x80xf32, #tpu.memory_space<hbm>>
        %dma_wait3A_73 = tpu.memref_squeeze %dma_wait3A_72 : memref<1x10000x80xf32, #tpu.memory_space<hbm>> -> memref<10000x80xf32, #tpu.memory_space<hbm>>
        %dma_wait3A_74 = arith.constant 0 : i32
        %dma_wait3A_75 = arith.constant 0 : i32
        %dma_wait3A_76 = tpu.memref_slice %dma_wait3A_73[%dma_wait3A_74, %dma_wait3A_75] : memref<10000x80xf32, #tpu.memory_space<hbm>> -> memref<10000x80xf32, #tpu.memory_space<hbm>>
        tpu.wait_indirect_dma semaphore(%arg16 : memref<!tpu.dma_semaphore, #tpu.memory_space<semaphore_mem>>) src(%dma_wait3A_76 : memref<10000x80xf32, #tpu.memory_space<hbm>>) dst(%arg13 : memref<80x80xf32, #tpu.memory_space<vmem>>)
        "tpu.region"() ({
          %run_scoped3A = tpu.sem_alloc : memref<!tpu.dma_semaphore, #tpu.memory_space<semaphore_mem>>
          %dma_start3A_89 = arith.constant 0 : i32
          %dma_start3A_90 = tpu.memref_slice %arg10[%add3A_62, %dma_start3A_89] : memref<250x80xi32, #tpu.memory_space<vmem>> -> memref<1x80xi32, #tpu.memory_space<vmem>>
          %dma_start3A_91 = tpu.memref_squeeze %dma_start3A_90 : memref<1x80xi32, #tpu.memory_space<vmem>> -> memref<80xi32, #tpu.memory_space<vmem>>
          %dma_start3A_92 = arith.constant 0 : i32
          %dma_start3A_93 = arith.constant 0 : i32
          %dma_start3A_94 = tpu.memref_slice %arg18[%dma_start3A_92, %dma_start3A_93] : memref<10000x80xf32, #tpu.memory_space<vmem_shared>> -> memref<10000x80xf32, #tpu.memory_space<vmem_shared>>
          tpu.enqueue_indirect_dma source(%arg13 : memref<80x80xf32, #tpu.memory_space<vmem>>) target(%dma_start3A_94 : memref<10000x80xf32, #tpu.memory_space<vmem_shared>>) offsets(%dma_start3A_91 : memref<80xi32, #tpu.memory_space<vmem>>) semaphore(%run_scoped3A : memref<!tpu.dma_semaphore, #tpu.memory_space<semaphore_mem>>) {add = true}
          %dma_wait3A_95 = arith.constant 0 : i32
          %dma_wait3A_96 = tpu.memref_slice %arg10[%add3A_62, %dma_wait3A_95] : memref<250x80xi32, #tpu.memory_space<vmem>> -> memref<1x80xi32, #tpu.memory_space<vmem>>
          %dma_wait3A_97 = tpu.memref_squeeze %dma_wait3A_96 : memref<1x80xi32, #tpu.memory_space<vmem>> -> memref<80xi32, #tpu.memory_space<vmem>>
          %dma_wait3A_98 = arith.constant 0 : i32
          %dma_wait3A_99 = arith.constant 0 : i32
          %dma_wait3A_100 = tpu.memref_slice %arg18[%dma_wait3A_98, %dma_wait3A_99] : memref<10000x80xf32, #tpu.memory_space<vmem_shared>> -> memref<10000x80xf32, #tpu.memory_space<vmem_shared>>
          tpu.wait_indirect_dma semaphore(%run_scoped3A : memref<!tpu.dma_semaphore, #tpu.memory_space<semaphore_mem>>) src(%arg13 : memref<80x80xf32, #tpu.memory_space<vmem>>) dst(%dma_wait3A_100 : memref<10000x80xf32, #tpu.memory_space<vmem_shared>>)
          tpu.yield
        }) : () -> ()
        %eq3A_77 = arith.constant 0 : i32
        %eq3A_78 = arith.cmpi eq, %arg0, %eq3A_77 : i32
        %convert_element_type3A_79 = arith.extui %eq3A_78 : i1 to i32
        %cond3A_80 = arith.constant 0 : i32
        %cond3A_81 = arith.cmpi ne, %convert_element_type3A_79, %cond3A_80 : i32
        scf.if %cond3A_81 {
          %get3A = arith.index_cast %add3A_62 : i32 to index
          %get3A_89 = arith.constant 0 : index
          %get3A_90 = tpu.vector_load %arg10[%get3A, %get3A_89] {strides = array<i32>} : memref<250x80xi32, #tpu.memory_space<vmem>>, vector<16xi32>,
          tpu.vector_store_idx %arg17[%get3A_90], %broadcast_in_dim3A_33 {add = true} : memref<10000xf32, #tpu.memory_space<vmem>>[vector<16xi32>], vector<16xf32>,
          %get3A_91 = arith.index_cast %add3A_62 : i32 to index
          %get3A_92 = arith.constant 16 : index
          %get3A_93 = tpu.vector_load %arg10[%get3A_91, %get3A_92] {strides = array<i32>} : memref<250x80xi32, #tpu.memory_space<vmem>>, vector<16xi32>,
          tpu.vector_store_idx %arg17[%get3A_93], %broadcast_in_dim3A_33 {add = true} : memref<10000xf32, #tpu.memory_space<vmem>>[vector<16xi32>], vector<16xf32>,
          %get3A_94 = arith.index_cast %add3A_62 : i32 to index
          %get3A_95 = arith.constant 32 : index
          %get3A_96 = tpu.vector_load %arg10[%get3A_94, %get3A_95] {strides = array<i32>} : memref<250x80xi32, #tpu.memory_space<vmem>>, vector<16xi32>,
          tpu.vector_store_idx %arg17[%get3A_96], %broadcast_in_dim3A_33 {add = true} : memref<10000xf32, #tpu.memory_space<vmem>>[vector<16xi32>], vector<16xf32>,
          %get3A_97 = arith.index_cast %add3A_62 : i32 to index
          %get3A_98 = arith.constant 48 : index
          %get3A_99 = tpu.vector_load %arg10[%get3A_97, %get3A_98] {strides = array<i32>} : memref<250x80xi32, #tpu.memory_space<vmem>>, vector<16xi32>,
          tpu.vector_store_idx %arg17[%get3A_99], %broadcast_in_dim3A_33 {add = true} : memref<10000xf32, #tpu.memory_space<vmem>>[vector<16xi32>], vector<16xf32>,
          %get3A_100 = arith.index_cast %add3A_62 : i32 to index
          %get3A_101 = arith.constant 64 : index
          %get3A_102 = tpu.vector_load %arg10[%get3A_100, %get3A_101] {strides = array<i32>} : memref<250x80xi32, #tpu.memory_space<vmem>>, vector<16xi32>,
          tpu.vector_store_idx %arg17[%get3A_102], %broadcast_in_dim3A_33 {add = true} : memref<10000xf32, #tpu.memory_space<vmem>>[vector<16xi32>], vector<16xf32>,
        } else {
        }
        %add3A_82 = arith.constant 3 : i32
        %add3A_83 = arith.addi %add3A_62, %add3A_82 : i32
        %lt3A_84 = arith.constant 250 : i32
        %lt3A_85 = arith.cmpi slt, %add3A_83, %lt3A_84 : i32
        %convert_element_type3A_86 = arith.extui %lt3A_85 : i1 to i32
        %cond3A_87 = arith.constant 0 : i32
        %cond3A_88 = arith.cmpi ne, %convert_element_type3A_86, %cond3A_87 : i32
        scf.if %cond3A_88 {
          %add3A_89 = arith.constant 3 : i32
          %add3A_90 = arith.addi %add3A_62, %add3A_89 : i32
          %dma_start3A_91 = arith.constant 0 : i32
          %dma_start3A_92 = tpu.memref_slice %arg9[%add3A_90, %dma_start3A_91] : memref<250x80xi32, #tpu.memory_space<vmem>> -> memref<1x80xi32, #tpu.memory_space<vmem>>
          %dma_start3A_93 = tpu.memref_squeeze %dma_start3A_92 : memref<1x80xi32, #tpu.memory_space<vmem>> -> memref<80xi32, #tpu.memory_space<vmem>>
          %dma_start3A_94 = arith.constant 0 : i32
          %dma_start3A_95 = arith.constant 0 : i32
          %dma_start3A_96 = tpu.memref_slice %arg2[%arg0, %dma_start3A_94, %dma_start3A_95] : memref<2x10000x80xf32, #tpu.memory_space<hbm>> -> memref<1x10000x80xf32, #tpu.memory_space<hbm>>
          %dma_start3A_97 = tpu.memref_squeeze %dma_start3A_96 : memref<1x10000x80xf32, #tpu.memory_space<hbm>> -> memref<10000x80xf32, #tpu.memory_space<hbm>>
          %dma_start3A_98 = arith.constant 0 : i32
          %dma_start3A_99 = arith.constant 0 : i32
          %dma_start3A_100 = tpu.memref_slice %dma_start3A_97[%dma_start3A_98, %dma_start3A_99] : memref<10000x80xf32, #tpu.memory_space<hbm>> -> memref<10000x80xf32, #tpu.memory_space<hbm>>
          tpu.enqueue_indirect_dma source(%dma_start3A_100 : memref<10000x80xf32, #tpu.memory_space<hbm>>) target(%arg13 : memref<80x80xf32, #tpu.memory_space<vmem>>) offsets(%dma_start3A_93 : memref<80xi32, #tpu.memory_space<vmem>>) semaphore(%arg16 : memref<!tpu.dma_semaphore, #tpu.memory_space<semaphore_mem>>)
        } else {
        }
      } else {
      }
    }
    %scan3A_38 = arith.constant 84 : i32
    %barrier3A_39 = arith.constant 0 : index
    tpu.barrier barrier_id(%barrier3A_39)
    "tpu.region"() ({
      %run_scoped3A = tpu.sem_alloc : memref<!tpu.dma_semaphore, #tpu.memory_space<semaphore_mem>>
      %dma_start3A_42 = arith.constant 0 : i32
      %dma_start3A_43 = tpu.memref_slice %arg7[%arg0, %mul3A_32, %dma_start3A_42] : memref<2x10000x80xf32, #tpu.memory_space<hbm>> -> memref<1x625x80xf32, #tpu.memory_space<hbm>>
      %dma_start3A_44 = tpu.memref_squeeze %dma_start3A_43 : memref<1x625x80xf32, #tpu.memory_space<hbm>> -> memref<625x80xf32, #tpu.memory_space<hbm>>
      %dma_start3A_45 = arith.constant 0 : i32
      %dma_start3A_46 = tpu.memref_slice %arg18[%mul3A_32, %dma_start3A_45] : memref<10000x80xf32, #tpu.memory_space<vmem_shared>> -> memref<625x80xf32, #tpu.memory_space<vmem_shared>>
      tpu.enqueue_dma source(%dma_start3A_46 : memref<625x80xf32, #tpu.memory_space<vmem_shared>>) target(%dma_start3A_44 : memref<625x80xf32, #tpu.memory_space<hbm>>) target_semaphore(%run_scoped3A : memref<!tpu.dma_semaphore, #tpu.memory_space<semaphore_mem>>)
      %dma_wait3A = arith.constant 0 : i32
      %dma_wait3A_47 = tpu.memref_slice %arg7[%arg0, %mul3A_32, %dma_wait3A] : memref<2x10000x80xf32, #tpu.memory_space<hbm>> -> memref<1x625x80xf32, #tpu.memory_space<hbm>>
      %dma_wait3A_48 = tpu.memref_squeeze %dma_wait3A_47 : memref<1x625x80xf32, #tpu.memory_space<hbm>> -> memref<625x80xf32, #tpu.memory_space<hbm>>
      %dma_wait3A_49 = arith.constant 0 : i32
      %dma_wait3A_50 = tpu.memref_slice %arg18[%mul3A_32, %dma_wait3A_49] : memref<10000x80xf32, #tpu.memory_space<vmem_shared>> -> memref<625x80xf32, #tpu.memory_space<vmem_shared>>
      tpu.wait_dma2 semaphore(%run_scoped3A : memref<!tpu.dma_semaphore, #tpu.memory_space<semaphore_mem>>) src(%dma_wait3A_50 : memref<625x80xf32, #tpu.memory_space<vmem_shared>>) dst(%dma_wait3A_48 : memref<625x80xf32, #tpu.memory_space<hbm>>)
      tpu.yield
    }) : () -> ()
    %eq3A = arith.constant 0 : i32
    %eq3A_40 = arith.cmpi eq, %arg0, %eq3A : i32
    %convert_element_type3A = arith.extui %eq3A_40 : i1 to i32
    %cond3A = arith.constant 0 : i32
    %cond3A_41 = arith.cmpi ne, %convert_element_type3A, %cond3A : i32
    scf.if %cond3A_41 {
      "tpu.region"() ({
        %run_scoped3A = tpu.sem_alloc : memref<!tpu.dma_semaphore, #tpu.memory_space<semaphore_mem>>
        %dma_start3A_42 = arith.constant 0 : i32
        %dma_start3A_43 = tpu.memref_slice %arg8[%arg1, %dma_start3A_42] : memref<16x10000xf32, #tpu.memory_space<hbm>> -> memref<1x10000xf32, #tpu.memory_space<hbm>>
        %dma_start3A_44 = tpu.memref_squeeze %dma_start3A_43 : memref<1x10000xf32, #tpu.memory_space<hbm>> -> memref<10000xf32, #tpu.memory_space<hbm>>
        %dma_start3A_45 = arith.constant 0 : i32
        %dma_start3A_46 = tpu.memref_slice %arg8[%arg1, %dma_start3A_45] : memref<16x10000xf32, #tpu.memory_space<hbm>> -> memref<1x10000xf32, #tpu.memory_space<hbm>>
        %dma_start3A_47 = tpu.memref_squeeze %dma_start3A_46 : memref<1x10000xf32, #tpu.memory_space<hbm>> -> memref<10000xf32, #tpu.memory_space<hbm>>
        tpu.enqueue_dma source(%arg17 : memref<10000xf32, #tpu.memory_space<vmem>>) target(%dma_start3A_47 : memref<10000xf32, #tpu.memory_space<hbm>>) target_semaphore(%run_scoped3A : memref<!tpu.dma_semaphore, #tpu.memory_space<semaphore_mem>>)
        %dma_wait3A = arith.constant 0 : i32
        %dma_wait3A_48 = tpu.memref_slice %arg8[%arg1, %dma_wait3A] : memref<16x10000xf32, #tpu.memory_space<hbm>> -> memref<1x10000xf32, #tpu.memory_space<hbm>>
        %dma_wait3A_49 = tpu.memref_squeeze %dma_wait3A_48 : memref<1x10000xf32, #tpu.memory_space<hbm>> -> memref<10000xf32, #tpu.memory_space<hbm>>
        %dma_wait3A_50 = arith.constant 0 : i32
        %dma_wait3A_51 = tpu.memref_slice %arg8[%arg1, %dma_wait3A_50] : memref<16x10000xf32, #tpu.memory_space<hbm>> -> memref<1x10000xf32, #tpu.memory_space<hbm>>
        %dma_wait3A_52 = tpu.memref_squeeze %dma_wait3A_51 : memref<1x10000xf32, #tpu.memory_space<hbm>> -> memref<10000xf32, #tpu.memory_space<hbm>>
        tpu.wait_dma2 semaphore(%run_scoped3A : memref<!tpu.dma_semaphore, #tpu.memory_space<semaphore_mem>>) src(%arg17 : memref<10000xf32, #tpu.memory_space<vmem>>) dst(%dma_wait3A_52 : memref<10000xf32, #tpu.memory_space<hbm>>)
        tpu.yield
      }) : () -> ()
    } else {
    }
    return
  }
}

module attributes {stable_mosaic.version = 14 : i64} {
  func.func @_front_body(%arg0: i32, %arg1: memref<1000x768xf32, #tpu.memory_space<vmem>>, %arg2: memref<1000x768xf32, #tpu.memory_space<vmem>>, %arg3: memref<1000x768xf32, #tpu.memory_space<vmem>>, %arg4: memref<1000x6xf32, #tpu.memory_space<vmem>>, %arg5: memref<1000x11xf32, #tpu.memory_space<vmem>>, %arg6: memref<32x768xf32, #tpu.memory_space<vmem>>, %arg7: memref<32x768xf32, #tpu.memory_space<vmem>>, %arg8: memref<32x768xf32, #tpu.memory_space<vmem>>, %arg9: memref<32x6xf32, #tpu.memory_space<vmem>>, %arg10: memref<32x11xf32, #tpu.memory_space<vmem>>, %arg11: memref<160x160xf32, #tpu.memory_space<vmem>>, %arg12: memref<1x32xf32, #tpu.memory_space<vmem>>, %arg13: memref<1x32xf32, #tpu.memory_space<vmem>>, %arg14: memref<1x32xf32, #tpu.memory_space<vmem>>, %arg15: memref<1x32xf32, #tpu.memory_space<vmem>>, %arg16: memref<1x32xf32, #tpu.memory_space<vmem>>, %arg17: memref<1x160xf32, #tpu.memory_space<vmem>>, %arg18: memref<2x1000x80xf32, #tpu.memory_space<vmem>>) attributes {dimension_semantics = [#tpu.dimension_semantics<arbitrary>], iteration_bounds = array<i64: 10>, scalar_prefetch = 0 : i64, scratch_operands = 0 : i64, tpu.core_type = #tpu.core_type<tc>, window_params = [{transform_indices = @transform_0, window_bounds = array<i64: 1000, 768>}, {transform_indices = @transform_1, window_bounds = array<i64: 1000, 768>}, {transform_indices = @transform_2, window_bounds = array<i64: 1000, 768>}, {transform_indices = @transform_3, window_bounds = array<i64: 1000, 6>}, {transform_indices = @transform_4, window_bounds = array<i64: 1000, 11>}, {pipeline_mode = #tpu.pipeline_mode<synchronous>, transform_indices = @transform_5, window_bounds = array<i64: 32, 768>}, {pipeline_mode = #tpu.pipeline_mode<synchronous>, transform_indices = @transform_6, window_bounds = array<i64: 32, 768>}, {pipeline_mode = #tpu.pipeline_mode<synchronous>, transform_indices = @transform_7, window_bounds = array<i64: 32, 768>}, {pipeline_mode = #tpu.pipeline_mode<synchronous>, transform_indices = @transform_8, window_bounds = array<i64: 32, 6>}, {pipeline_mode = #tpu.pipeline_mode<synchronous>, transform_indices = @transform_9, window_bounds = array<i64: 32, 11>}, {pipeline_mode = #tpu.pipeline_mode<synchronous>, transform_indices = @transform_10, window_bounds = array<i64: 160, 160>}, {pipeline_mode = #tpu.pipeline_mode<synchronous>, transform_indices = @transform_11, window_bounds = array<i64: 1, 32>}, {pipeline_mode = #tpu.pipeline_mode<synchronous>, transform_indices = @transform_12, window_bounds = array<i64: 1, 32>}, {pipeline_mode = #tpu.pipeline_mode<synchronous>, transform_indices = @transform_13, window_bounds = array<i64: 1, 32>}, {pipeline_mode = #tpu.pipeline_mode<synchronous>, transform_indices = @transform_14, window_bounds = array<i64: 1, 32>}, {pipeline_mode = #tpu.pipeline_mode<synchronous>, transform_indices = @transform_15, window_bounds = array<i64: 1, 32>}, {pipeline_mode = #tpu.pipeline_mode<synchronous>, transform_indices = @transform_16, window_bounds = array<i64: 1, 160>}, {transform_indices = @transform_17, window_bounds = array<i64: 2, 1000, 80>}]} {
    %get3A = arith.constant 0 : index
    %get3A_0 = arith.constant 0 : index
    %get3A_1 = vector.load %arg1[%get3A, %get3A_0] : memref<1000x768xf32, #tpu.memory_space<vmem>>, vector<1000x768xf32>
    %get3A_2 = arith.constant 0 : index
    %get3A_3 = arith.constant 0 : index
    %get3A_4 = vector.load %arg6[%get3A_2, %get3A_3] : memref<32x768xf32, #tpu.memory_space<vmem>>, vector<32x768xf32>
    %dot_general3A = arith.constant dense<0.000000e+00> : vector<1000x32xf32>
    %dot_general3A_5 = tpu.matmul %get3A_1, %get3A_4, %dot_general3A {dimension_numbers = #tpu.dot_dimension_numbers<[1], [1], [0], [0], [0, 0, 1, 0], [], []>, transpose_lhs_hint = false} : vector<1000x768xf32>, vector<32x768xf32>, vector<1000x32xf32> -> vector<1000x32xf32>
    %get3A_6 = arith.constant 0 : index
    %get3A_7 = arith.constant 0 : index
    %get3A_8 = vector.load %arg12[%get3A_6, %get3A_7] : memref<1x32xf32, #tpu.memory_space<vmem>>, vector<1x32xf32>
    %add3A = vector.broadcast %get3A_8 : vector<1x32xf32> to vector<1000x32xf32>
    %add3A_9 = arith.addf %dot_general3A_5, %add3A : vector<1000x32xf32>
    %gt3A = arith.constant 0.000000e+00 : f32
    %gt3A_10 = vector.broadcast %gt3A : f32 to vector<1000x32xf32>
    %gt3A_11 = arith.cmpf ogt, %add3A_9, %gt3A_10 : vector<1000x32xf32>
    %mul3A = arith.constant 0.00999999977 : f32
    %mul3A_12 = vector.broadcast %mul3A : f32 to vector<1000x32xf32>
    %mul3A_13 = arith.mulf %mul3A_12, %add3A_9 : vector<1000x32xf32>
    %select_n3A = arith.select %gt3A_11, %add3A_9, %mul3A_13 : vector<1000x32xi1>, vector<1000x32xf32>
    %get3A_14 = arith.constant 0 : index
    %get3A_15 = arith.constant 0 : index
    %get3A_16 = vector.load %arg2[%get3A_14, %get3A_15] : memref<1000x768xf32, #tpu.memory_space<vmem>>, vector<1000x768xf32>
    %get3A_17 = arith.constant 0 : index
    %get3A_18 = arith.constant 0 : index
    %get3A_19 = vector.load %arg7[%get3A_17, %get3A_18] : memref<32x768xf32, #tpu.memory_space<vmem>>, vector<32x768xf32>
    %dot_general3A_20 = arith.constant dense<0.000000e+00> : vector<1000x32xf32>
    %dot_general3A_21 = tpu.matmul %get3A_16, %get3A_19, %dot_general3A_20 {dimension_numbers = #tpu.dot_dimension_numbers<[1], [1], [0], [0], [0, 0, 1, 0], [], []>, transpose_lhs_hint = false} : vector<1000x768xf32>, vector<32x768xf32>, vector<1000x32xf32> -> vector<1000x32xf32>
    %get3A_22 = arith.constant 0 : index
    %get3A_23 = arith.constant 0 : index
    %get3A_24 = vector.load %arg13[%get3A_22, %get3A_23] : memref<1x32xf32, #tpu.memory_space<vmem>>, vector<1x32xf32>
    %add3A_25 = vector.broadcast %get3A_24 : vector<1x32xf32> to vector<1000x32xf32>
    %add3A_26 = arith.addf %dot_general3A_21, %add3A_25 : vector<1000x32xf32>
    %gt3A_27 = arith.constant 0.000000e+00 : f32
    %gt3A_28 = vector.broadcast %gt3A_27 : f32 to vector<1000x32xf32>
    %gt3A_29 = arith.cmpf ogt, %add3A_26, %gt3A_28 : vector<1000x32xf32>
    %mul3A_30 = arith.constant 0.00999999977 : f32
    %mul3A_31 = vector.broadcast %mul3A_30 : f32 to vector<1000x32xf32>
    %mul3A_32 = arith.mulf %mul3A_31, %add3A_26 : vector<1000x32xf32>
    %select_n3A_33 = arith.select %gt3A_29, %add3A_26, %mul3A_32 : vector<1000x32xi1>, vector<1000x32xf32>
    %get3A_34 = arith.constant 0 : index
    %get3A_35 = arith.constant 0 : index
    %get3A_36 = vector.load %arg3[%get3A_34, %get3A_35] : memref<1000x768xf32, #tpu.memory_space<vmem>>, vector<1000x768xf32>
    %get3A_37 = arith.constant 0 : index
    %get3A_38 = arith.constant 0 : index
    %get3A_39 = vector.load %arg8[%get3A_37, %get3A_38] : memref<32x768xf32, #tpu.memory_space<vmem>>, vector<32x768xf32>
    %dot_general3A_40 = arith.constant dense<0.000000e+00> : vector<1000x32xf32>
    %dot_general3A_41 = tpu.matmul %get3A_36, %get3A_39, %dot_general3A_40 {dimension_numbers = #tpu.dot_dimension_numbers<[1], [1], [0], [0], [0, 0, 1, 0], [], []>, transpose_lhs_hint = false} : vector<1000x768xf32>, vector<32x768xf32>, vector<1000x32xf32> -> vector<1000x32xf32>
    %get3A_42 = arith.constant 0 : index
    %get3A_43 = arith.constant 0 : index
    %get3A_44 = vector.load %arg14[%get3A_42, %get3A_43] : memref<1x32xf32, #tpu.memory_space<vmem>>, vector<1x32xf32>
    %add3A_45 = vector.broadcast %get3A_44 : vector<1x32xf32> to vector<1000x32xf32>
    %add3A_46 = arith.addf %dot_general3A_41, %add3A_45 : vector<1000x32xf32>
    %gt3A_47 = arith.constant 0.000000e+00 : f32
    %gt3A_48 = vector.broadcast %gt3A_47 : f32 to vector<1000x32xf32>
    %gt3A_49 = arith.cmpf ogt, %add3A_46, %gt3A_48 : vector<1000x32xf32>
    %mul3A_50 = arith.constant 0.00999999977 : f32
    %mul3A_51 = vector.broadcast %mul3A_50 : f32 to vector<1000x32xf32>
    %mul3A_52 = arith.mulf %mul3A_51, %add3A_46 : vector<1000x32xf32>
    %select_n3A_53 = arith.select %gt3A_49, %add3A_46, %mul3A_52 : vector<1000x32xi1>, vector<1000x32xf32>
    %get3A_54 = arith.constant 0 : index
    %get3A_55 = arith.constant 0 : index
    %get3A_56 = vector.load %arg4[%get3A_54, %get3A_55] : memref<1000x6xf32, #tpu.memory_space<vmem>>, vector<1000x6xf32>
    %get3A_57 = arith.constant 0 : index
    %get3A_58 = arith.constant 0 : index
    %get3A_59 = vector.load %arg9[%get3A_57, %get3A_58] : memref<32x6xf32, #tpu.memory_space<vmem>>, vector<32x6xf32>
    %dot_general3A_60 = arith.constant dense<0.000000e+00> : vector<1000x32xf32>
    %dot_general3A_61 = tpu.matmul %get3A_56, %get3A_59, %dot_general3A_60 {dimension_numbers = #tpu.dot_dimension_numbers<[1], [1], [0], [0], [0, 0, 1, 0], [], []>, transpose_lhs_hint = false} : vector<1000x6xf32>, vector<32x6xf32>, vector<1000x32xf32> -> vector<1000x32xf32>
    %get3A_62 = arith.constant 0 : index
    %get3A_63 = arith.constant 0 : index
    %get3A_64 = vector.load %arg15[%get3A_62, %get3A_63] : memref<1x32xf32, #tpu.memory_space<vmem>>, vector<1x32xf32>
    %add3A_65 = vector.broadcast %get3A_64 : vector<1x32xf32> to vector<1000x32xf32>
    %add3A_66 = arith.addf %dot_general3A_61, %add3A_65 : vector<1000x32xf32>
    %gt3A_67 = arith.constant 0.000000e+00 : f32
    %gt3A_68 = vector.broadcast %gt3A_67 : f32 to vector<1000x32xf32>
    %gt3A_69 = arith.cmpf ogt, %add3A_66, %gt3A_68 : vector<1000x32xf32>
    %mul3A_70 = arith.constant 0.00999999977 : f32
    %mul3A_71 = vector.broadcast %mul3A_70 : f32 to vector<1000x32xf32>
    %mul3A_72 = arith.mulf %mul3A_71, %add3A_66 : vector<1000x32xf32>
    %select_n3A_73 = arith.select %gt3A_69, %add3A_66, %mul3A_72 : vector<1000x32xi1>, vector<1000x32xf32>
    %get3A_74 = arith.constant 0 : index
    %get3A_75 = arith.constant 0 : index
    %get3A_76 = vector.load %arg5[%get3A_74, %get3A_75] : memref<1000x11xf32, #tpu.memory_space<vmem>>, vector<1000x11xf32>
    %get3A_77 = arith.constant 0 : index
    %get3A_78 = arith.constant 0 : index
    %get3A_79 = vector.load %arg10[%get3A_77, %get3A_78] : memref<32x11xf32, #tpu.memory_space<vmem>>, vector<32x11xf32>
    %dot_general3A_80 = arith.constant dense<0.000000e+00> : vector<1000x32xf32>
    %dot_general3A_81 = tpu.matmul %get3A_76, %get3A_79, %dot_general3A_80 {dimension_numbers = #tpu.dot_dimension_numbers<[1], [1], [0], [0], [0, 0, 1, 0], [], []>, transpose_lhs_hint = false} : vector<1000x11xf32>, vector<32x11xf32>, vector<1000x32xf32> -> vector<1000x32xf32>
    %get3A_82 = arith.constant 0 : index
    %get3A_83 = arith.constant 0 : index
    %get3A_84 = vector.load %arg16[%get3A_82, %get3A_83] : memref<1x32xf32, #tpu.memory_space<vmem>>, vector<1x32xf32>
    %add3A_85 = vector.broadcast %get3A_84 : vector<1x32xf32> to vector<1000x32xf32>
    %add3A_86 = arith.addf %dot_general3A_81, %add3A_85 : vector<1000x32xf32>
    %gt3A_87 = arith.constant 0.000000e+00 : f32
    %gt3A_88 = vector.broadcast %gt3A_87 : f32 to vector<1000x32xf32>
    %gt3A_89 = arith.cmpf ogt, %add3A_86, %gt3A_88 : vector<1000x32xf32>
    %mul3A_90 = arith.constant 0.00999999977 : f32
    %mul3A_91 = vector.broadcast %mul3A_90 : f32 to vector<1000x32xf32>
    %mul3A_92 = arith.mulf %mul3A_91, %add3A_86 : vector<1000x32xf32>
    %select_n3A_93 = arith.select %gt3A_89, %add3A_86, %mul3A_92 : vector<1000x32xi1>, vector<1000x32xf32>
    %get3A_94 = arith.constant 0 : index
    %get3A_95 = arith.constant 0 : index
    %get3A_96 = vector.load %arg11[%get3A_94, %get3A_95] : memref<160x160xf32, #tpu.memory_space<vmem>>, vector<160x160xf32>
    %slice3A = vector.extract_strided_slice %get3A_96 {offsets = [0, 0], sizes = [160, 32], strides = [1, 1]} : vector<160x160xf32> to vector<160x32xf32>
    %dot_general3A_97 = arith.constant dense<0.000000e+00> : vector<1000x160xf32>
    %dot_general3A_98 = tpu.matmul %select_n3A_73, %slice3A, %dot_general3A_97 {dimension_numbers = #tpu.dot_dimension_numbers<[1], [1], [0], [0], [0, 0, 1, 0], [], []>, transpose_lhs_hint = false} : vector<1000x32xf32>, vector<160x32xf32>, vector<1000x160xf32> -> vector<1000x160xf32>
    %slice3A_99 = vector.extract_strided_slice %get3A_96 {offsets = [0, 32], sizes = [160, 32], strides = [1, 1]} : vector<160x160xf32> to vector<160x32xf32>
    %dot_general3A_100 = arith.constant dense<0.000000e+00> : vector<1000x160xf32>
    %dot_general3A_101 = tpu.matmul %select_n3A_93, %slice3A_99, %dot_general3A_100 {dimension_numbers = #tpu.dot_dimension_numbers<[1], [1], [0], [0], [0, 0, 1, 0], [], []>, transpose_lhs_hint = false} : vector<1000x32xf32>, vector<160x32xf32>, vector<1000x160xf32> -> vector<1000x160xf32>
    %add3A_102 = arith.addf %dot_general3A_98, %dot_general3A_101 : vector<1000x160xf32>
    %slice3A_103 = vector.extract_strided_slice %get3A_96 {offsets = [0, 64], sizes = [160, 32], strides = [1, 1]} : vector<160x160xf32> to vector<160x32xf32>
    %dot_general3A_104 = arith.constant dense<0.000000e+00> : vector<1000x160xf32>
    %dot_general3A_105 = tpu.matmul %select_n3A_33, %slice3A_103, %dot_general3A_104 {dimension_numbers = #tpu.dot_dimension_numbers<[1], [1], [0], [0], [0, 0, 1, 0], [], []>, transpose_lhs_hint = false} : vector<1000x32xf32>, vector<160x32xf32>, vector<1000x160xf32> -> vector<1000x160xf32>
    %add3A_106 = arith.addf %add3A_102, %dot_general3A_105 : vector<1000x160xf32>
    %slice3A_107 = vector.extract_strided_slice %get3A_96 {offsets = [0, 96], sizes = [160, 32], strides = [1, 1]} : vector<160x160xf32> to vector<160x32xf32>
    %dot_general3A_108 = arith.constant dense<0.000000e+00> : vector<1000x160xf32>
    %dot_general3A_109 = tpu.matmul %select_n3A_53, %slice3A_107, %dot_general3A_108 {dimension_numbers = #tpu.dot_dimension_numbers<[1], [1], [0], [0], [0, 0, 1, 0], [], []>, transpose_lhs_hint = false} : vector<1000x32xf32>, vector<160x32xf32>, vector<1000x160xf32> -> vector<1000x160xf32>
    %add3A_110 = arith.addf %add3A_106, %dot_general3A_109 : vector<1000x160xf32>
    %slice3A_111 = vector.extract_strided_slice %get3A_96 {offsets = [0, 128], sizes = [160, 32], strides = [1, 1]} : vector<160x160xf32> to vector<160x32xf32>
    %dot_general3A_112 = arith.constant dense<0.000000e+00> : vector<1000x160xf32>
    %dot_general3A_113 = tpu.matmul %select_n3A, %slice3A_111, %dot_general3A_112 {dimension_numbers = #tpu.dot_dimension_numbers<[1], [1], [0], [0], [0, 0, 1, 0], [], []>, transpose_lhs_hint = false} : vector<1000x32xf32>, vector<160x32xf32>, vector<1000x160xf32> -> vector<1000x160xf32>
    %add3A_114 = arith.addf %add3A_110, %dot_general3A_113 : vector<1000x160xf32>
    %get3A_115 = arith.constant 0 : index
    %get3A_116 = arith.constant 0 : index
    %get3A_117 = vector.load %arg17[%get3A_115, %get3A_116] : memref<1x160xf32, #tpu.memory_space<vmem>>, vector<1x160xf32>
    %add3A_118 = vector.broadcast %get3A_117 : vector<1x160xf32> to vector<1000x160xf32>
    %add3A_119 = arith.addf %add3A_114, %add3A_118 : vector<1000x160xf32>
    %gt3A_120 = arith.constant 0.000000e+00 : f32
    %gt3A_121 = vector.broadcast %gt3A_120 : f32 to vector<1000x160xf32>
    %gt3A_122 = arith.cmpf ogt, %add3A_119, %gt3A_121 : vector<1000x160xf32>
    %mul3A_123 = arith.constant 0.00999999977 : f32
    %mul3A_124 = vector.broadcast %mul3A_123 : f32 to vector<1000x160xf32>
    %mul3A_125 = arith.mulf %mul3A_124, %add3A_119 : vector<1000x160xf32>
    %select_n3A_126 = arith.select %gt3A_122, %add3A_119, %mul3A_125 : vector<1000x160xi1>, vector<1000x160xf32>
    %slice3A_127 = vector.extract_strided_slice %select_n3A_126 {offsets = [0, 0], sizes = [1000, 80], strides = [1, 1]} : vector<1000x160xf32> to vector<1000x80xf32>
    %swap3A = arith.constant 0 : index
    %swap3A_128 = arith.constant 0 : index
    %swap3A_129 = arith.constant 0 : index
    %swap3A_130 = vector.load %arg18[%swap3A, %swap3A_128, %swap3A_129] : memref<2x1000x80xf32, #tpu.memory_space<vmem>>, vector<1x1000x80xf32>
    %swap3A_131 = vector.shape_cast %swap3A_130 : vector<1x1000x80xf32> to vector<1000x80xf32>
    %swap3A_132 = vector.shape_cast %slice3A_127 : vector<1000x80xf32> to vector<1x1000x80xf32>
    tpu.vector_store %arg18[%swap3A, %swap3A_128, %swap3A_129], %swap3A_132 {strides = array<i32>} : memref<2x1000x80xf32, #tpu.memory_space<vmem>>, vector<1x1000x80xf32>,
    %slice3A_133 = vector.extract_strided_slice %select_n3A_126 {offsets = [0, 80], sizes = [1000, 80], strides = [1, 1]} : vector<1000x160xf32> to vector<1000x80xf32>
    %swap3A_134 = arith.constant 1 : index
    %swap3A_135 = arith.constant 0 : index
    %swap3A_136 = arith.constant 0 : index
    %swap3A_137 = vector.load %arg18[%swap3A_134, %swap3A_135, %swap3A_136] : memref<2x1000x80xf32, #tpu.memory_space<vmem>>, vector<1x1000x80xf32>
    %swap3A_138 = vector.shape_cast %swap3A_137 : vector<1x1000x80xf32> to vector<1000x80xf32>
    %swap3A_139 = vector.shape_cast %slice3A_133 : vector<1000x80xf32> to vector<1x1000x80xf32>
    tpu.vector_store %arg18[%swap3A_134, %swap3A_135, %swap3A_136], %swap3A_139 {strides = array<i32>} : memref<2x1000x80xf32, #tpu.memory_space<vmem>>, vector<1x1000x80xf32>,
    return
  }
  func.func @transform_0(%arg0: i32) -> (i32, i32) {
    %c0_i32 = arith.constant 0 : i32
    %c0_i32_0 = arith.constant 0 : i32
    return %arg0, %c0_i32 : i32, i32
  }
  func.func @transform_1(%arg0: i32) -> (i32, i32) {
    %c0_i32 = arith.constant 0 : i32
    %c0_i32_0 = arith.constant 0 : i32
    return %arg0, %c0_i32 : i32, i32
  }
  func.func @transform_2(%arg0: i32) -> (i32, i32) {
    %c0_i32 = arith.constant 0 : i32
    %c0_i32_0 = arith.constant 0 : i32
    return %arg0, %c0_i32 : i32, i32
  }
  func.func @transform_3(%arg0: i32) -> (i32, i32) {
    %c0_i32 = arith.constant 0 : i32
    %c0_i32_0 = arith.constant 0 : i32
    return %arg0, %c0_i32 : i32, i32
  }
  func.func @transform_4(%arg0: i32) -> (i32, i32) {
    %c0_i32 = arith.constant 0 : i32
    %c0_i32_0 = arith.constant 0 : i32
    return %arg0, %c0_i32 : i32, i32
  }
  func.func @transform_5(%arg0: i32) -> (i32, i32) {
    %c0_i32 = arith.constant 0 : i32
    %c0_i32_0 = arith.constant 0 : i32
    %c0_i32_1 = arith.constant 0 : i32
    return %c0_i32, %c0_i32_0 : i32, i32
  }
  func.func @transform_6(%arg0: i32) -> (i32, i32) {
    %c0_i32 = arith.constant 0 : i32
    %c0_i32_0 = arith.constant 0 : i32
    %c0_i32_1 = arith.constant 0 : i32
    return %c0_i32, %c0_i32_0 : i32, i32
  }
  func.func @transform_7(%arg0: i32) -> (i32, i32) {
    %c0_i32 = arith.constant 0 : i32
    %c0_i32_0 = arith.constant 0 : i32
    %c0_i32_1 = arith.constant 0 : i32
    return %c0_i32, %c0_i32_0 : i32, i32
  }
  func.func @transform_8(%arg0: i32) -> (i32, i32) {
    %c0_i32 = arith.constant 0 : i32
    %c0_i32_0 = arith.constant 0 : i32
    %c0_i32_1 = arith.constant 0 : i32
    return %c0_i32, %c0_i32_0 : i32, i32
  }
  func.func @transform_9(%arg0: i32) -> (i32, i32) {
    %c0_i32 = arith.constant 0 : i32
    %c0_i32_0 = arith.constant 0 : i32
    %c0_i32_1 = arith.constant 0 : i32
    return %c0_i32, %c0_i32_0 : i32, i32
  }
  func.func @transform_10(%arg0: i32) -> (i32, i32) {
    %c0_i32 = arith.constant 0 : i32
    %c0_i32_0 = arith.constant 0 : i32
    %c0_i32_1 = arith.constant 0 : i32
    return %c0_i32, %c0_i32_0 : i32, i32
  }
  func.func @transform_11(%arg0: i32) -> (i32, i32) {
    %c0_i32 = arith.constant 0 : i32
    %c0_i32_0 = arith.constant 0 : i32
    %c0_i32_1 = arith.constant 0 : i32
    return %c0_i32, %c0_i32_0 : i32, i32
  }
  func.func @transform_12(%arg0: i32) -> (i32, i32) {
    %c0_i32 = arith.constant 0 : i32
    %c0_i32_0 = arith.constant 0 : i32
    %c0_i32_1 = arith.constant 0 : i32
    return %c0_i32, %c0_i32_0 : i32, i32
  }
  func.func @transform_13(%arg0: i32) -> (i32, i32) {
    %c0_i32 = arith.constant 0 : i32
    %c0_i32_0 = arith.constant 0 : i32
    %c0_i32_1 = arith.constant 0 : i32
    return %c0_i32, %c0_i32_0 : i32, i32
  }
  func.func @transform_14(%arg0: i32) -> (i32, i32) {
    %c0_i32 = arith.constant 0 : i32
    %c0_i32_0 = arith.constant 0 : i32
    %c0_i32_1 = arith.constant 0 : i32
    return %c0_i32, %c0_i32_0 : i32, i32
  }
  func.func @transform_15(%arg0: i32) -> (i32, i32) {
    %c0_i32 = arith.constant 0 : i32
    %c0_i32_0 = arith.constant 0 : i32
    %c0_i32_1 = arith.constant 0 : i32
    return %c0_i32, %c0_i32_0 : i32, i32
  }
  func.func @transform_16(%arg0: i32) -> (i32, i32) {
    %c0_i32 = arith.constant 0 : i32
    %c0_i32_0 = arith.constant 0 : i32
    %c0_i32_1 = arith.constant 0 : i32
    return %c0_i32, %c0_i32_0 : i32, i32
  }
  func.func @transform_17(%arg0: i32) -> (i32, i32, i32) {
    %c0_i32 = arith.constant 0 : i32
    %c0_i32_0 = arith.constant 0 : i32
    %c0_i32_1 = arith.constant 0 : i32
    return %c0_i32, %arg0, %c0_i32_0 : i32, i32, i32
  }
}

module attributes {stable_mosaic.version = 14 : i64} {
  func.func @_mid_body(%arg0: i32, %arg1: memref<2x1000x80xf32, #tpu.memory_space<vmem>>, %arg2: memref<1000x16xf32, #tpu.memory_space<vmem>>, %arg3: memref<2x1000x80xf32, #tpu.memory_space<vmem>>, %arg4: memref<160x160xf32, #tpu.memory_space<vmem>>, %arg5: memref<160x160xf32, #tpu.memory_space<vmem>>, %arg6: memref<1x160xf32, #tpu.memory_space<vmem>>, %arg7: memref<2x1000x80xf32, #tpu.memory_space<vmem>>, %arg8: memref<1000x1xf32, #tpu.memory_space<vmem>>) attributes {dimension_semantics = [#tpu.dimension_semantics<arbitrary>], iteration_bounds = array<i64: 10>, scalar_prefetch = 0 : i64, scratch_operands = 0 : i64, tpu.core_type = #tpu.core_type<tc>, window_params = [{transform_indices = @transform_0, window_bounds = array<i64: 2, 1000, 80>}, {transform_indices = @transform_1, window_bounds = array<i64: 1000, 16>}, {transform_indices = @transform_2, window_bounds = array<i64: 2, 1000, 80>}, {pipeline_mode = #tpu.pipeline_mode<synchronous>, transform_indices = @transform_3, window_bounds = array<i64: 160, 160>}, {pipeline_mode = #tpu.pipeline_mode<synchronous>, transform_indices = @transform_4, window_bounds = array<i64: 160, 160>}, {pipeline_mode = #tpu.pipeline_mode<synchronous>, transform_indices = @transform_5, window_bounds = array<i64: 1, 160>}, {transform_indices = @transform_6, window_bounds = array<i64: 2, 1000, 80>}, {transform_indices = @transform_7, window_bounds = array<i64: 1000, 1>}]} {
    %get3A = arith.constant 0 : index
    %get3A_0 = arith.constant 0 : index
    %get3A_1 = vector.load %arg2[%get3A, %get3A_0] : memref<1000x16xf32, #tpu.memory_space<vmem>>, vector<1000x16xf32>
    %reduce_sum3A = arith.constant dense<0.000000e+00> : vector<1000xf32>
    %reduce_sum3A_2 = vector.multi_reduction <add>, %get3A_1, %reduce_sum3A [1] : vector<1000x16xf32> to vector<1000xf32>
    %broadcast_in_dim3A = vector.shape_cast %reduce_sum3A_2 : vector<1000xf32> to vector<1000x1xf32>
    %max3A = arith.constant 1.000000e+00 : f32
    %max3A_3 = vector.broadcast %max3A : f32 to vector<1000x1xf32>
    %max3A_4 = arith.maximumf %broadcast_in_dim3A, %max3A_3 : vector<1000x1xf32>
    %div3A = arith.constant 1.000000e+00 : f32
    %div3A_5 = vector.broadcast %div3A : f32 to vector<1000x1xf32>
    %div3A_6 = arith.divf %div3A_5, %max3A_4 : vector<1000x1xf32>
    %swap3A = arith.constant 0 : index
    %swap3A_7 = arith.constant 0 : index
    %swap3A_8 = vector.load %arg8[%swap3A, %swap3A_7] : memref<1000x1xf32, #tpu.memory_space<vmem>>, vector<1000x1xf32>
    tpu.vector_store %arg8[%swap3A, %swap3A_7], %div3A_6 {strides = array<i32>} : memref<1000x1xf32, #tpu.memory_space<vmem>>, vector<1000x1xf32>,
    %get3A_9 = arith.constant 0 : index
    %get3A_10 = arith.constant 0 : index
    %get3A_11 = vector.load %arg4[%get3A_9, %get3A_10] : memref<160x160xf32, #tpu.memory_space<vmem>>, vector<160x160xf32>
    %get3A_12 = arith.constant 0 : index
    %get3A_13 = arith.constant 0 : index
    %get3A_14 = vector.load %arg5[%get3A_12, %get3A_13] : memref<160x160xf32, #tpu.memory_space<vmem>>, vector<160x160xf32>
    %get3A_15 = arith.constant 0 : index
    %get3A_16 = arith.constant 0 : index
    %get3A_17 = arith.constant 0 : index
    %get3A_18 = vector.load %arg1[%get3A_15, %get3A_16, %get3A_17] : memref<2x1000x80xf32, #tpu.memory_space<vmem>>, vector<1x1000x80xf32>
    %get3A_19 = vector.shape_cast %get3A_18 : vector<1x1000x80xf32> to vector<1000x80xf32>
    %mul3A = vector.broadcast %div3A_6 : vector<1000x1xf32> to vector<1000x80xf32>
    %mul3A_20 = arith.mulf %get3A_19, %mul3A : vector<1000x80xf32>
    %slice3A = vector.extract_strided_slice %get3A_11 {offsets = [0, 0], sizes = [160, 80], strides = [1, 1]} : vector<160x160xf32> to vector<160x80xf32>
    %dot_general3A = arith.constant dense<0.000000e+00> : vector<1000x160xf32>
    %dot_general3A_21 = tpu.matmul %mul3A_20, %slice3A, %dot_general3A {dimension_numbers = #tpu.dot_dimension_numbers<[1], [1], [0], [0], [0, 0, 1, 0], [], []>, transpose_lhs_hint = false} : vector<1000x80xf32>, vector<160x80xf32>, vector<1000x160xf32> -> vector<1000x160xf32>
    %get3A_22 = arith.constant 1 : index
    %get3A_23 = arith.constant 0 : index
    %get3A_24 = arith.constant 0 : index
    %get3A_25 = vector.load %arg1[%get3A_22, %get3A_23, %get3A_24] : memref<2x1000x80xf32, #tpu.memory_space<vmem>>, vector<1x1000x80xf32>
    %get3A_26 = vector.shape_cast %get3A_25 : vector<1x1000x80xf32> to vector<1000x80xf32>
    %mul3A_27 = vector.broadcast %div3A_6 : vector<1000x1xf32> to vector<1000x80xf32>
    %mul3A_28 = arith.mulf %get3A_26, %mul3A_27 : vector<1000x80xf32>
    %slice3A_29 = vector.extract_strided_slice %get3A_11 {offsets = [0, 80], sizes = [160, 80], strides = [1, 1]} : vector<160x160xf32> to vector<160x80xf32>
    %dot_general3A_30 = arith.constant dense<0.000000e+00> : vector<1000x160xf32>
    %dot_general3A_31 = tpu.matmul %mul3A_28, %slice3A_29, %dot_general3A_30 {dimension_numbers = #tpu.dot_dimension_numbers<[1], [1], [0], [0], [0, 0, 1, 0], [], []>, transpose_lhs_hint = false} : vector<1000x80xf32>, vector<160x80xf32>, vector<1000x160xf32> -> vector<1000x160xf32>
    %add3A = arith.addf %dot_general3A_21, %dot_general3A_31 : vector<1000x160xf32>
    %get3A_32 = arith.constant 0 : index
    %get3A_33 = arith.constant 0 : index
    %get3A_34 = vector.load %arg6[%get3A_32, %get3A_33] : memref<1x160xf32, #tpu.memory_space<vmem>>, vector<1x160xf32>
    %add3A_35 = vector.broadcast %get3A_34 : vector<1x160xf32> to vector<1000x160xf32>
    %add3A_36 = arith.addf %add3A, %add3A_35 : vector<1000x160xf32>
    %get3A_37 = arith.constant 0 : index
    %get3A_38 = arith.constant 0 : index
    %get3A_39 = arith.constant 0 : index
    %get3A_40 = vector.load %arg3[%get3A_37, %get3A_38, %get3A_39] : memref<2x1000x80xf32, #tpu.memory_space<vmem>>, vector<1x1000x80xf32>
    %get3A_41 = vector.shape_cast %get3A_40 : vector<1x1000x80xf32> to vector<1000x80xf32>
    %slice3A_42 = vector.extract_strided_slice %get3A_14 {offsets = [0, 0], sizes = [160, 80], strides = [1, 1]} : vector<160x160xf32> to vector<160x80xf32>
    %dot_general3A_43 = arith.constant dense<0.000000e+00> : vector<1000x160xf32>
    %dot_general3A_44 = tpu.matmul %get3A_41, %slice3A_42, %dot_general3A_43 {dimension_numbers = #tpu.dot_dimension_numbers<[1], [1], [0], [0], [0, 0, 1, 0], [], []>, transpose_lhs_hint = false} : vector<1000x80xf32>, vector<160x80xf32>, vector<1000x160xf32> -> vector<1000x160xf32>
    %add3A_45 = arith.addf %add3A_36, %dot_general3A_44 : vector<1000x160xf32>
    %get3A_46 = arith.constant 1 : index
    %get3A_47 = arith.constant 0 : index
    %get3A_48 = arith.constant 0 : index
    %get3A_49 = vector.load %arg3[%get3A_46, %get3A_47, %get3A_48] : memref<2x1000x80xf32, #tpu.memory_space<vmem>>, vector<1x1000x80xf32>
    %get3A_50 = vector.shape_cast %get3A_49 : vector<1x1000x80xf32> to vector<1000x80xf32>
    %slice3A_51 = vector.extract_strided_slice %get3A_14 {offsets = [0, 80], sizes = [160, 80], strides = [1, 1]} : vector<160x160xf32> to vector<160x80xf32>
    %dot_general3A_52 = arith.constant dense<0.000000e+00> : vector<1000x160xf32>
    %dot_general3A_53 = tpu.matmul %get3A_50, %slice3A_51, %dot_general3A_52 {dimension_numbers = #tpu.dot_dimension_numbers<[1], [1], [0], [0], [0, 0, 1, 0], [], []>, transpose_lhs_hint = false} : vector<1000x80xf32>, vector<160x80xf32>, vector<1000x160xf32> -> vector<1000x160xf32>
    %add3A_54 = arith.addf %add3A_45, %dot_general3A_53 : vector<1000x160xf32>
    %slice3A_55 = vector.extract_strided_slice %add3A_54 {offsets = [0, 0], sizes = [1000, 80], strides = [1, 1]} : vector<1000x160xf32> to vector<1000x80xf32>
    %swap3A_56 = arith.constant 0 : index
    %swap3A_57 = arith.constant 0 : index
    %swap3A_58 = arith.constant 0 : index
    %swap3A_59 = vector.load %arg7[%swap3A_56, %swap3A_57, %swap3A_58] : memref<2x1000x80xf32, #tpu.memory_space<vmem>>, vector<1x1000x80xf32>
    %swap3A_60 = vector.shape_cast %swap3A_59 : vector<1x1000x80xf32> to vector<1000x80xf32>
    %swap3A_61 = vector.shape_cast %slice3A_55 : vector<1000x80xf32> to vector<1x1000x80xf32>
    tpu.vector_store %arg7[%swap3A_56, %swap3A_57, %swap3A_58], %swap3A_61 {strides = array<i32>} : memref<2x1000x80xf32, #tpu.memory_space<vmem>>, vector<1x1000x80xf32>,
    %slice3A_62 = vector.extract_strided_slice %add3A_54 {offsets = [0, 80], sizes = [1000, 80], strides = [1, 1]} : vector<1000x160xf32> to vector<1000x80xf32>
    %swap3A_63 = arith.constant 1 : index
    %swap3A_64 = arith.constant 0 : index
    %swap3A_65 = arith.constant 0 : index
    %swap3A_66 = vector.load %arg7[%swap3A_63, %swap3A_64, %swap3A_65] : memref<2x1000x80xf32, #tpu.memory_space<vmem>>, vector<1x1000x80xf32>
    %swap3A_67 = vector.shape_cast %swap3A_66 : vector<1x1000x80xf32> to vector<1000x80xf32>
    %swap3A_68 = vector.shape_cast %slice3A_62 : vector<1000x80xf32> to vector<1x1000x80xf32>
    tpu.vector_store %arg7[%swap3A_63, %swap3A_64, %swap3A_65], %swap3A_68 {strides = array<i32>} : memref<2x1000x80xf32, #tpu.memory_space<vmem>>, vector<1x1000x80xf32>,
    return
  }
  func.func @transform_0(%arg0: i32) -> (i32, i32, i32) {
    %c0_i32 = arith.constant 0 : i32
    %c0_i32_0 = arith.constant 0 : i32
    %c0_i32_1 = arith.constant 0 : i32
    return %c0_i32, %arg0, %c0_i32_0 : i32, i32, i32
  }
  func.func @transform_1(%arg0: i32) -> (i32, i32) {
    %c0_i32 = arith.constant 0 : i32
    %c0_i32_0 = arith.constant 0 : i32
    return %arg0, %c0_i32 : i32, i32
  }
  func.func @transform_2(%arg0: i32) -> (i32, i32, i32) {
    %c0_i32 = arith.constant 0 : i32
    %c0_i32_0 = arith.constant 0 : i32
    %c0_i32_1 = arith.constant 0 : i32
    return %c0_i32, %arg0, %c0_i32_0 : i32, i32, i32
  }
  func.func @transform_3(%arg0: i32) -> (i32, i32) {
    %c0_i32 = arith.constant 0 : i32
    %c0_i32_0 = arith.constant 0 : i32
    %c0_i32_1 = arith.constant 0 : i32
    return %c0_i32, %c0_i32_0 : i32, i32
  }
  func.func @transform_4(%arg0: i32) -> (i32, i32) {
    %c0_i32 = arith.constant 0 : i32
    %c0_i32_0 = arith.constant 0 : i32
    %c0_i32_1 = arith.constant 0 : i32
    return %c0_i32, %c0_i32_0 : i32, i32
  }
  func.func @transform_5(%arg0: i32) -> (i32, i32) {
    %c0_i32 = arith.constant 0 : i32
    %c0_i32_0 = arith.constant 0 : i32
    %c0_i32_1 = arith.constant 0 : i32
    return %c0_i32, %c0_i32_0 : i32, i32
  }
  func.func @transform_6(%arg0: i32) -> (i32, i32, i32) {
    %c0_i32 = arith.constant 0 : i32
    %c0_i32_0 = arith.constant 0 : i32
    %c0_i32_1 = arith.constant 0 : i32
    return %c0_i32, %arg0, %c0_i32_0 : i32, i32, i32
  }
  func.func @transform_7(%arg0: i32) -> (i32, i32) {
    %c0_i32 = arith.constant 0 : i32
    %c0_i32_0 = arith.constant 0 : i32
    return %arg0, %c0_i32 : i32, i32
  }
}

module attributes {stable_mosaic.version = 14 : i64} {
  func.func @_out_body(%arg0: i32, %arg1: memref<2x1000x80xf32, #tpu.memory_space<vmem>>, %arg2: memref<1000x1xf32, #tpu.memory_space<vmem>>, %arg3: memref<2x1000x80xf32, #tpu.memory_space<vmem>>, %arg4: memref<160x160xf32, #tpu.memory_space<vmem>>, %arg5: memref<160x160xf32, #tpu.memory_space<vmem>>, %arg6: memref<1x160xf32, #tpu.memory_space<vmem>>, %arg7: memref<160x160xf32, #tpu.memory_space<vmem>>, %arg8: memref<1x160xf32, #tpu.memory_space<vmem>>, %arg9: memref<2x160xf32, #tpu.memory_space<vmem>>, %arg10: memref<1x2xf32, #tpu.memory_space<vmem>>, %arg11: memref<1000x2xf32, #tpu.memory_space<vmem>>, %arg12: memref<1000x160xf32, #tpu.memory_space<vmem>>) attributes {dimension_semantics = [#tpu.dimension_semantics<arbitrary>], iteration_bounds = array<i64: 10>, scalar_prefetch = 0 : i64, scratch_operands = 0 : i64, tpu.core_type = #tpu.core_type<tc>, window_params = [{transform_indices = @transform_0, window_bounds = array<i64: 2, 1000, 80>}, {transform_indices = @transform_1, window_bounds = array<i64: 1000, 1>}, {transform_indices = @transform_2, window_bounds = array<i64: 2, 1000, 80>}, {pipeline_mode = #tpu.pipeline_mode<synchronous>, transform_indices = @transform_3, window_bounds = array<i64: 160, 160>}, {pipeline_mode = #tpu.pipeline_mode<synchronous>, transform_indices = @transform_4, window_bounds = array<i64: 160, 160>}, {pipeline_mode = #tpu.pipeline_mode<synchronous>, transform_indices = @transform_5, window_bounds = array<i64: 1, 160>}, {pipeline_mode = #tpu.pipeline_mode<synchronous>, transform_indices = @transform_6, window_bounds = array<i64: 160, 160>}, {pipeline_mode = #tpu.pipeline_mode<synchronous>, transform_indices = @transform_7, window_bounds = array<i64: 1, 160>}, {pipeline_mode = #tpu.pipeline_mode<synchronous>, transform_indices = @transform_8, window_bounds = array<i64: 2, 160>}, {pipeline_mode = #tpu.pipeline_mode<synchronous>, transform_indices = @transform_9, window_bounds = array<i64: 1, 2>}, {transform_indices = @transform_10, window_bounds = array<i64: 1000, 2>}, {transform_indices = @transform_11, window_bounds = array<i64: 1000, 160>}]} {
    %get3A = arith.constant 0 : index
    %get3A_0 = arith.constant 0 : index
    %get3A_1 = vector.load %arg2[%get3A, %get3A_0] : memref<1000x1xf32, #tpu.memory_space<vmem>>, vector<1000x1xf32>
    %get3A_2 = arith.constant 0 : index
    %get3A_3 = arith.constant 0 : index
    %get3A_4 = vector.load %arg4[%get3A_2, %get3A_3] : memref<160x160xf32, #tpu.memory_space<vmem>>, vector<160x160xf32>
    %get3A_5 = arith.constant 0 : index
    %get3A_6 = arith.constant 0 : index
    %get3A_7 = vector.load %arg5[%get3A_5, %get3A_6] : memref<160x160xf32, #tpu.memory_space<vmem>>, vector<160x160xf32>
    %get3A_8 = arith.constant 0 : index
    %get3A_9 = arith.constant 0 : index
    %get3A_10 = arith.constant 0 : index
    %get3A_11 = vector.load %arg1[%get3A_8, %get3A_9, %get3A_10] : memref<2x1000x80xf32, #tpu.memory_space<vmem>>, vector<1x1000x80xf32>
    %get3A_12 = vector.shape_cast %get3A_11 : vector<1x1000x80xf32> to vector<1000x80xf32>
    %mul3A = vector.broadcast %get3A_1 : vector<1000x1xf32> to vector<1000x80xf32>
    %mul3A_13 = arith.mulf %get3A_12, %mul3A : vector<1000x80xf32>
    %slice3A = vector.extract_strided_slice %get3A_4 {offsets = [0, 0], sizes = [160, 80], strides = [1, 1]} : vector<160x160xf32> to vector<160x80xf32>
    %dot_general3A = arith.constant dense<0.000000e+00> : vector<1000x160xf32>
    %dot_general3A_14 = tpu.matmul %mul3A_13, %slice3A, %dot_general3A {dimension_numbers = #tpu.dot_dimension_numbers<[1], [1], [0], [0], [0, 0, 1, 0], [], []>, transpose_lhs_hint = false} : vector<1000x80xf32>, vector<160x80xf32>, vector<1000x160xf32> -> vector<1000x160xf32>
    %get3A_15 = arith.constant 1 : index
    %get3A_16 = arith.constant 0 : index
    %get3A_17 = arith.constant 0 : index
    %get3A_18 = vector.load %arg1[%get3A_15, %get3A_16, %get3A_17] : memref<2x1000x80xf32, #tpu.memory_space<vmem>>, vector<1x1000x80xf32>
    %get3A_19 = vector.shape_cast %get3A_18 : vector<1x1000x80xf32> to vector<1000x80xf32>
    %mul3A_20 = vector.broadcast %get3A_1 : vector<1000x1xf32> to vector<1000x80xf32>
    %mul3A_21 = arith.mulf %get3A_19, %mul3A_20 : vector<1000x80xf32>
    %slice3A_22 = vector.extract_strided_slice %get3A_4 {offsets = [0, 80], sizes = [160, 80], strides = [1, 1]} : vector<160x160xf32> to vector<160x80xf32>
    %dot_general3A_23 = arith.constant dense<0.000000e+00> : vector<1000x160xf32>
    %dot_general3A_24 = tpu.matmul %mul3A_21, %slice3A_22, %dot_general3A_23 {dimension_numbers = #tpu.dot_dimension_numbers<[1], [1], [0], [0], [0, 0, 1, 0], [], []>, transpose_lhs_hint = false} : vector<1000x80xf32>, vector<160x80xf32>, vector<1000x160xf32> -> vector<1000x160xf32>
    %add3A = arith.addf %dot_general3A_14, %dot_general3A_24 : vector<1000x160xf32>
    %get3A_25 = arith.constant 0 : index
    %get3A_26 = arith.constant 0 : index
    %get3A_27 = vector.load %arg6[%get3A_25, %get3A_26] : memref<1x160xf32, #tpu.memory_space<vmem>>, vector<1x160xf32>
    %add3A_28 = vector.broadcast %get3A_27 : vector<1x160xf32> to vector<1000x160xf32>
    %add3A_29 = arith.addf %add3A, %add3A_28 : vector<1000x160xf32>
    %get3A_30 = arith.constant 0 : index
    %get3A_31 = arith.constant 0 : index
    %get3A_32 = arith.constant 0 : index
    %get3A_33 = vector.load %arg3[%get3A_30, %get3A_31, %get3A_32] : memref<2x1000x80xf32, #tpu.memory_space<vmem>>, vector<1x1000x80xf32>
    %get3A_34 = vector.shape_cast %get3A_33 : vector<1x1000x80xf32> to vector<1000x80xf32>
    %slice3A_35 = vector.extract_strided_slice %get3A_7 {offsets = [0, 0], sizes = [160, 80], strides = [1, 1]} : vector<160x160xf32> to vector<160x80xf32>
    %dot_general3A_36 = arith.constant dense<0.000000e+00> : vector<1000x160xf32>
    %dot_general3A_37 = tpu.matmul %get3A_34, %slice3A_35, %dot_general3A_36 {dimension_numbers = #tpu.dot_dimension_numbers<[1], [1], [0], [0], [0, 0, 1, 0], [], []>, transpose_lhs_hint = false} : vector<1000x80xf32>, vector<160x80xf32>, vector<1000x160xf32> -> vector<1000x160xf32>
    %add3A_38 = arith.addf %add3A_29, %dot_general3A_37 : vector<1000x160xf32>
    %get3A_39 = arith.constant 1 : index
    %get3A_40 = arith.constant 0 : index
    %get3A_41 = arith.constant 0 : index
    %get3A_42 = vector.load %arg3[%get3A_39, %get3A_40, %get3A_41] : memref<2x1000x80xf32, #tpu.memory_space<vmem>>, vector<1x1000x80xf32>
    %get3A_43 = vector.shape_cast %get3A_42 : vector<1x1000x80xf32> to vector<1000x80xf32>
    %slice3A_44 = vector.extract_strided_slice %get3A_7 {offsets = [0, 80], sizes = [160, 80], strides = [1, 1]} : vector<160x160xf32> to vector<160x80xf32>
    %dot_general3A_45 = arith.constant dense<0.000000e+00> : vector<1000x160xf32>
    %dot_general3A_46 = tpu.matmul %get3A_43, %slice3A_44, %dot_general3A_45 {dimension_numbers = #tpu.dot_dimension_numbers<[1], [1], [0], [0], [0, 0, 1, 0], [], []>, transpose_lhs_hint = false} : vector<1000x80xf32>, vector<160x80xf32>, vector<1000x160xf32> -> vector<1000x160xf32>
    %add3A_47 = arith.addf %add3A_38, %dot_general3A_46 : vector<1000x160xf32>
    %get3A_48 = arith.constant 0 : index
    %get3A_49 = arith.constant 0 : index
    %get3A_50 = vector.load %arg7[%get3A_48, %get3A_49] : memref<160x160xf32, #tpu.memory_space<vmem>>, vector<160x160xf32>
    %dot_general3A_51 = arith.constant dense<0.000000e+00> : vector<1000x160xf32>
    %dot_general3A_52 = tpu.matmul %add3A_47, %get3A_50, %dot_general3A_51 {dimension_numbers = #tpu.dot_dimension_numbers<[1], [1], [0], [0], [0, 0, 1, 0], [], []>, transpose_lhs_hint = false} : vector<1000x160xf32>, vector<160x160xf32>, vector<1000x160xf32> -> vector<1000x160xf32>
    %get3A_53 = arith.constant 0 : index
    %get3A_54 = arith.constant 0 : index
    %get3A_55 = vector.load %arg8[%get3A_53, %get3A_54] : memref<1x160xf32, #tpu.memory_space<vmem>>, vector<1x160xf32>
    %add3A_56 = vector.broadcast %get3A_55 : vector<1x160xf32> to vector<1000x160xf32>
    %add3A_57 = arith.addf %dot_general3A_52, %add3A_56 : vector<1000x160xf32>
    %gt3A = arith.constant 0.000000e+00 : f32
    %gt3A_58 = vector.broadcast %gt3A : f32 to vector<1000x160xf32>
    %gt3A_59 = arith.cmpf ogt, %add3A_57, %gt3A_58 : vector<1000x160xf32>
    %mul3A_60 = arith.constant 0.00999999977 : f32
    %mul3A_61 = vector.broadcast %mul3A_60 : f32 to vector<1000x160xf32>
    %mul3A_62 = arith.mulf %mul3A_61, %add3A_57 : vector<1000x160xf32>
    %select_n3A = arith.select %gt3A_59, %add3A_57, %mul3A_62 : vector<1000x160xi1>, vector<1000x160xf32>
    %swap3A = arith.constant 0 : index
    %swap3A_63 = arith.constant 0 : index
    %swap3A_64 = vector.load %arg12[%swap3A, %swap3A_63] : memref<1000x160xf32, #tpu.memory_space<vmem>>, vector<1000x160xf32>
    tpu.vector_store %arg12[%swap3A, %swap3A_63], %select_n3A {strides = array<i32>} : memref<1000x160xf32, #tpu.memory_space<vmem>>, vector<1000x160xf32>,
    %get3A_65 = arith.constant 0 : index
    %get3A_66 = arith.constant 0 : index
    %get3A_67 = vector.load %arg9[%get3A_65, %get3A_66] : memref<2x160xf32, #tpu.memory_space<vmem>>, vector<2x160xf32>
    %dot_general3A_68 = arith.constant dense<0.000000e+00> : vector<1000x2xf32>
    %dot_general3A_69 = tpu.matmul %select_n3A, %get3A_67, %dot_general3A_68 {dimension_numbers = #tpu.dot_dimension_numbers<[1], [1], [0], [0], [0, 0, 1, 0], [], []>, transpose_lhs_hint = false} : vector<1000x160xf32>, vector<2x160xf32>, vector<1000x2xf32> -> vector<1000x2xf32>
    %get3A_70 = arith.constant 0 : index
    %get3A_71 = arith.constant 0 : index
    %get3A_72 = vector.load %arg10[%get3A_70, %get3A_71] : memref<1x2xf32, #tpu.memory_space<vmem>>, vector<1x2xf32>
    %add3A_73 = vector.broadcast %get3A_72 : vector<1x2xf32> to vector<1000x2xf32>
    %add3A_74 = arith.addf %dot_general3A_69, %add3A_73 : vector<1000x2xf32>
    %swap3A_75 = arith.constant 0 : index
    %swap3A_76 = arith.constant 0 : index
    %swap3A_77 = vector.load %arg11[%swap3A_75, %swap3A_76] : memref<1000x2xf32, #tpu.memory_space<vmem>>, vector<1000x2xf32>
    tpu.vector_store %arg11[%swap3A_75, %swap3A_76], %add3A_74 {strides = array<i32>} : memref<1000x2xf32, #tpu.memory_space<vmem>>, vector<1000x2xf32>,
    return
  }
  func.func @transform_0(%arg0: i32) -> (i32, i32, i32) {
    %c0_i32 = arith.constant 0 : i32
    %c0_i32_0 = arith.constant 0 : i32
    %c0_i32_1 = arith.constant 0 : i32
    return %c0_i32, %arg0, %c0_i32_0 : i32, i32, i32
  }
  func.func @transform_1(%arg0: i32) -> (i32, i32) {
    %c0_i32 = arith.constant 0 : i32
    %c0_i32_0 = arith.constant 0 : i32
    return %arg0, %c0_i32 : i32, i32
  }
  func.func @transform_2(%arg0: i32) -> (i32, i32, i32) {
    %c0_i32 = arith.constant 0 : i32
    %c0_i32_0 = arith.constant 0 : i32
    %c0_i32_1 = arith.constant 0 : i32
    return %c0_i32, %arg0, %c0_i32_0 : i32, i32, i32
  }
  func.func @transform_3(%arg0: i32) -> (i32, i32) {
    %c0_i32 = arith.constant 0 : i32
    %c0_i32_0 = arith.constant 0 : i32
    %c0_i32_1 = arith.constant 0 : i32
    return %c0_i32, %c0_i32_0 : i32, i32
  }
  func.func @transform_4(%arg0: i32) -> (i32, i32) {
    %c0_i32 = arith.constant 0 : i32
    %c0_i32_0 = arith.constant 0 : i32
    %c0_i32_1 = arith.constant 0 : i32
    return %c0_i32, %c0_i32_0 : i32, i32
  }
  func.func @transform_5(%arg0: i32) -> (i32, i32) {
    %c0_i32 = arith.constant 0 : i32
    %c0_i32_0 = arith.constant 0 : i32
    %c0_i32_1 = arith.constant 0 : i32
    return %c0_i32, %c0_i32_0 : i32, i32
  }
  func.func @transform_6(%arg0: i32) -> (i32, i32) {
    %c0_i32 = arith.constant 0 : i32
    %c0_i32_0 = arith.constant 0 : i32
    %c0_i32_1 = arith.constant 0 : i32
    return %c0_i32, %c0_i32_0 : i32, i32
  }
  func.func @transform_7(%arg0: i32) -> (i32, i32) {
    %c0_i32 = arith.constant 0 : i32
    %c0_i32_0 = arith.constant 0 : i32
    %c0_i32_1 = arith.constant 0 : i32
    return %c0_i32, %c0_i32_0 : i32, i32
  }
  func.func @transform_8(%arg0: i32) -> (i32, i32) {
    %c0_i32 = arith.constant 0 : i32
    %c0_i32_0 = arith.constant 0 : i32
    %c0_i32_1 = arith.constant 0 : i32
    return %c0_i32, %c0_i32_0 : i32, i32
  }
  func.func @transform_9(%arg0: i32) -> (i32, i32) {
    %c0_i32 = arith.constant 0 : i32
    %c0_i32_0 = arith.constant 0 : i32
    %c0_i32_1 = arith.constant 0 : i32
    return %c0_i32, %c0_i32_0 : i32, i32
  }
  func.func @transform_10(%arg0: i32) -> (i32, i32) {
    %c0_i32 = arith.constant 0 : i32
    %c0_i32_0 = arith.constant 0 : i32
    return %arg0, %c0_i32 : i32, i32
  }
  func.func @transform_11(%arg0: i32) -> (i32, i32) {
    %c0_i32 = arith.constant 0 : i32
    %c0_i32_0 = arith.constant 0 : i32
    return %arg0, %c0_i32 : i32, i32
  }
}

</mosaic_0001>

<sc_bundles>
// kernel: kernel.10.cloned.1.call-start
scs
__scs_entry_jumppad:
0x0: {  	(pc) =	sbr.rel $0x88, $3  }
0x1: {  	(tag) =	ssettag $0x0;
	lr =	simm.s32 $0x1  }
0x2: {  	[smem:$0x3F88] =	sst lr;
	_ =	strace $0xD0000000  }
0x3: {  	_ = 	snop  }
0x4: {  	_ = 	snop  }
0x5: {  	_ = 	snop  }
0x6: {  	_ = 	snop  }
0x7: {  	_ = 	snop  }
__scs_overlays_trampoline_lowered:
0x8: {  	[smem:$0x3F97] =	sst s0  }
0x9: {  	[smem:$0x3F98] =	sst s1  }
0xa: {  	[smem:$0x3F99] =	sst s2  }
0xb: {  	[smem:$0x3F9A] =	sst s3  }
0xc: {  	[smem:$0x3F9B] =	sst s4  }
0xd: {  	[smem:$0x3F9C] =	sst s5  }
0xe: {  	[smem:$0x3F9D] =	sst s6  }
0xf: {  	[smem:$0x3F9E] =	sst s7  }
0x10: {  	[smem:$0x3F9F] =	sst s8  }
0x11: {  	[smem:$0x3FA0] =	sst s9;
	s0 =	simm.s32 @!p0 $0x0  }
0x12: {  	s1 =	sld [smem:$0x3F86];
	s0 =	simm.s32 @p0 $0x1  }
0x13: {  	[smem:$0x3FA1] =	sst s0;
	s0 =	simm.s32 @!p1 $0x0  }
0x14: {  	s2 =	sld [smem:$0x3F85];
	s0 =	simm.s32 @p1 $0x1  }
0x15: {  	[smem:$0x3FA2] =	sst s0;
	s0 =	simm.s32 @!p2 $0x0  }
0x16: {  	s3 =	sld [smem:$0x3FDB];
	s0 =	simm.s32 @p2 $0x1  }
0x17: {  	s4 =	simm.s32 $0x1BF5;
	[smem:$0x3FA4] =	sst s0  }
0x18: {  	s0 =	sld [smem:$0x3F87];
	_ =	swait.ge [sflag:s4], $0x0  }
0x19: {  	s7 =	sld [smem:$0x3F88]  }
0x1a: {  	s8 =	sadd.s32 $0xFFFFE003, lr  }
0x1b: {  	s9 =	sadd.s32 $0xFFFFFEF7, lr;
	s5 =	simm.s32 $0xFFFFFFFF;
	p2 =	slt.u32 s8, $0xFFFFF086  }
0x1c: {  	p1 =	slt.u32 s9, $0xF7A;
	s5 =	simm.s32 @!p2 $0x0  }
0x1d: {  	s5 =	simm.s32 @p1 $0x1;
	p0 =	seq.s32 s7, s2  }
0x1e: {  	s7 =	smul.u32 @!p0 $0xF7A, s2;
	p2 =	seq.s32 @!p0 s5, $0x0  }
0x1f: {  	s9 =	smul.u32 $0xF7A, s1;
	s8 =	simm.s32 @!p0 $0x1BF5;
	p2 =	por !p2, p0  }
0x20: {  	[sflag:s8] =	ssyncset.s32 @!p0 $0xFFFFF086;
	s6 =	sadd.s32 @!p0 s3, s7;
	s7 =	simm.s32 @!p0 $0x108  }
0x21: {  	s3 =	sadd.s32 s3, s9;
	s6 =	sadd.s32 @!p0 $0x88, s6;
	s7 =	simm.s32 @p2 $0x1082  }
0x22: {  	[simem:s7], [sflag:s8] =	dma.local @!p0 [hbm:s6], $0xF7A  }
0x23: {  	s9 =	sor.u32 $0xD0000000, s2;
	s6 =	simm.s32 $0x108;
	_ =	swait.ge @!p0 [sflag:s8], $0x0  }
0x24: {  	s3 =	sadd.s32 $0x88, s3;
	s6 =	simm.s32 @!p1 $0x1082;
	[sflag:s4] =	ssyncset.s32 $0xFFFFF086  }
0x25: {  	[simem:s6], [sflag:s4] =	dma.local [hbm:s3], $0xF7A  }
0x26: {  	[smem:$0x3F88] =	sst s1;
	(tag) =	ssettag s2;
	_ =	strace s9  }
0x27: {  	s1 =	sld [smem:$0x3F98]  }
0x28: {  	s2 =	sld [smem:$0x3F99]  }
0x29: {  	s4 =	sld [smem:$0x3F9B]  }
0x2a: {  	p0 =	seq.s32 s5, $0x0;
	s5 =	sld [smem:$0x3F9C]  }
0x2b: {  	s6 =	sld [smem:$0x3F9D]  }
0x2c: {  	s7 =	sld [smem:$0x3F9E]  }
0x2d: {  	s3 =	simm.s32 $0x108;
	s8 =	sld [smem:$0x3F9F]  }
0x2e: {  	s3 =	simm.s32 @!p0 $0x1082;
	s9 =	sld [smem:$0x3FA0]  }
0x2f: {  	lr =	sadd.s32 s0, s3;
	s0 =	sld [smem:$0x3F97]  }
0x30: {  	s3 =	sld [smem:$0x3F9A]  }
0x31: {  	[smem:$0x3FA3] =	sst s10  }
0x32: {  	s10 =	sld [smem:$0x3FA1];
	_ =	sdelay $0x3  }
0x33: {  	p0 =	seq.s32 s10, $0x1;
	s10 =	sld [smem:$0x3FA3];
	_ =	sdelay $0x3  }
0x34: {  	[smem:$0x3FA3] =	sst s10  }
0x35: {  	s10 =	sld [smem:$0x3FA2];
	_ =	sdelay $0x3  }
0x36: {  	p1 =	seq.s32 s10, $0x1;
	s10 =	sld [smem:$0x3FA3];
	_ =	sdelay $0x3  }
0x37: {  	[smem:$0x3FA3] =	sst s10  }
0x38: {  	s10 =	sld [smem:$0x3FA4]  }
0x39: {  	_ = 	snop;
	(pc) =	sbr.ind lr, $3  }
0x3a: {  	_ = 	snop  }
0x3b: {  	_ = 	snop  }
0x3c: {  	p2 =	seq.s32 s10, $0x1;
	s10 =	sld [smem:$0x3FA3]  }
0x3d: {  	_ =	shalt  }
0x3e: {  	_ =	shalt  }
0x3f: {  	_ =	shalt  }
0x40: {  	_ =	shalt  }
0x41: {  	_ =	shalt  }
0x42: {  	_ =	shalt  }
0x43: {  	_ =	shalt  }
0x44: {  	_ =	shalt  }
0x45: {  	_ =	shalt  }
0x46: {  	_ =	shalt  }
0x47: {  	_ =	shalt  }
0x48: {  	_ =	shalt  }
0x49: {  	_ =	shalt  }
0x4a: {  	_ =	shalt  }
0x4b: {  	_ =	shalt  }
0x4c: {  	_ =	shalt  }
0x4d: {  	_ =	shalt  }
0x4e: {  	_ =	shalt  }
0x4f: {  	_ =	shalt  }
0x50: {  	_ =	shalt  }
0x51: {  	_ =	shalt  }
0x52: {  	_ =	shalt  }
0x53: {  	_ =	shalt  }
0x54: {  	_ =	shalt  }
0x55: {  	_ =	shalt  }
0x56: {  	_ =	shalt  }
0x57: {  	_ =	shalt  }
0x58: {  	_ =	shalt  }
0x59: {  	_ =	shalt  }
0x5a: {  	_ =	shalt  }
0x5b: {  	_ =	shalt  }
0x5c: {  	_ =	shalt  }
0x5d: {  	_ =	shalt  }
0x5e: {  	_ =	shalt  }
0x5f: {  	_ =	shalt  }
0x60: {  	_ =	shalt  }
0x61: {  	_ =	shalt  }
0x62: {  	_ =	shalt  }
0x63: {  	_ =	shalt  }
0x64: {  	_ =	shalt  }
0x65: {  	_ =	shalt  }
0x66: {  	_ =	shalt  }
0x67: {  	_ =	shalt  }
0x68: {  	_ =	shalt  }
0x69: {  	_ =	shalt  }
0x6a: {  	_ =	shalt  }
0x6b: {  	_ =	shalt  }
0x6c: {  	_ =	shalt  }
0x6d: {  	_ =	shalt  }
0x6e: {  	_ =	shalt  }
0x6f: {  	_ =	shalt  }
0x70: {  	_ =	shalt  }
0x71: {  	_ =	shalt  }
0x72: {  	_ =	shalt  }
0x73: {  	_ =	shalt  }
0x74: {  	_ =	shalt  }
0x75: {  	_ =	shalt  }
0x76: {  	_ =	shalt  }
0x77: {  	_ =	shalt  }
0x78: {  	_ =	shalt  }
0x79: {  	_ =	shalt  }
0x7a: {  	_ =	shalt  }
0x7b: {  	_ =	shalt  }
0x7c: {  	_ =	shalt  }
0x7d: {  	_ =	shalt  }
0x7e: {  	_ =	shalt  }
0x7f: {  	_ =	shalt  }
0x80: {  	_ =	shalt  }
0x81: {  	_ =	shalt  }
0x82: {  	_ =	shalt  }
0x83: {  	_ =	shalt  }
0x84: {  	_ =	shalt  }
0x85: {  	_ =	shalt  }
0x86: {  	_ =	shalt  }
0x87: {  	_ =	shalt  }
.Lfunc_end0:
.L_simem_size_0:
called_computation.1_lowered:
.L_overlay_start_0:
0x88: {  	s2 =	sld [smem:$0x3FD9]  }
0x89: {  	s3 =	sld [smem:$0x3FFE];
	_ =	sdelay $0x1  }
0x8a: {  	s1 =	srdreg.scid  }
0x8b: {  	s0 =	sand.u32 $0x1, s1  }
0x8c: {  	s14 =	sshll.u32 s0, $0xA;
	s2 =	sadd.s32 s3, s2  }
0x8d: {  	s2 =	sadd.s32 s2, s14  }
0x8e: {  	[smem:$0x3FAF] =	sst s2  }
0x8f: {  	_ = 	snop  }
0x90: {  	s2 =	sld [smem:$0x3FD0];
	_ =	sdelay $0x2  }
0x91: {  	s15 =	simm.s32 $0xA;
	s4 =	simm.s32 $0x10  }
0x92: {  	[smem:s4], [sflag:s15] =	dma.local [hbm:s2], $0x1  }
0x93: {  	_ =	swait.eq [sflag:s15], $0x1  }
0x94: {  	[sflag:s15] =	ssyncset.done $0x0  }
0x95: {  	[sflag:s15] =	ssyncadd.s32 $0xFFFFFFFF  }
0x96: {  	s16 =	sld [smem:$0x11];
	(tm) =	ssettm $0x1  }
0x97: {  	s17 =	sld [smem:$0x3FFB];
	_ =	sdelay $0x3  }
0x98: {  	_ =	strace s17  }
0x99: {  	s3 =	sld [smem:$0x3FFC];
	_ =	sdelay $0x3  }
0x9a: {  	_ =	strace s3  }
0x9b: {  	s3 =	sld [smem:$0x3FFD];
	_ =	sdelay $0x3  }
0x9c: {  	_ =	strace s3  }
0x9d: {  	_ =	strace $0x8FFFFFFF  }
0x9e: {  	s18 =	sld [smem:$0x3FDB];
	_ =	sdelay $0x1  }
0x9f: {  	s19 =	simm.s32 $_scs_section_size  }
0xa0: {  	s5 =	simm.s32 $_size__tile_overlayer_lowered;
	s6 =	simm.s32 $_tile_overlayer_lowered  }
0xa1: {  	s22 =	simm.s32 $0x1BFF;
	s21 =	sshll.u32 s6, $0x1;
	s3 =	sadd.s32 s19, s18  }
0xa2: {  	s7 =	simm.s32 $0x0;
	s20 =	sshll.u32 s5, $0x1;
	s5 =	sadd.s32 s21, s3  }
0xa3: {  	[timem:s7], [sflag:s22] =	dma.local [hbm:s5], s20  }
0xa4: {  	_ =	swait.ge [sflag:s22], s20  }
0xa5: {  	s4 =	ssub.s32 $0x0, s20;
	[sflag:s22] =	ssyncset.done $0x0  }
0xa6: {  	[sflag:s22] =	ssyncadd.s32 s4;
	_ =	sdelay $0x1  }
0xa7: {  	s23 =	simm.s32 $0x1B8B  }
0xa8: {  	_ =	swait.ge [sflag:s23], $0x1  }
0xa9: {  	[sflag:s23] =	ssyncset.done $0x0  }
0xaa: {  	s25 =	simm.s32 $0x1B8E;
	s24 =	sld [smem:$0x3FFE];
	[sflag:s23] =	ssyncadd.s32 $0xFFFFFFFF  }
0xab: {  	s26 =	simm.s32 $execute0_lowered;
	[smem:$0x3FD2] =	sst s25  }
0xac: {  	s5 =	sshll.u32 s26, $0x1;
	_ =	strace $0x80000049;
	[dreg:$0x1] =	wrdreg $0xFFFFFFFF  }
0xad: {  	s28 =	simm.s32 $_size_execute0_lowered;
	s3 =	sadd.s32 s3, s5;
	[dreg:$0x0] =	wrdreg $0x0  }
0xae: {  	s5 =	sshll.u32 s28, $0x1;
	[dreg:$0x2] =	wrdreg s3  }
0xaf: {  	[dreg:$0x3] =	wrdreg s5  }
0xb0: {  	[dreg:$0x4] =	wrdreg $0xC0  }
0xb1: {  	_ =	task [dreg:s7], $0x5FFFF  }
0xb2: {  	[dreg:$0x1] =	wrdreg $0xFFFFFFFF  }
0xb3: {  	[dreg:$0x0] =	wrdreg $0x60  }
0xb4: {  	[dreg:$0x2] =	wrdreg s16  }
0xb5: {  	[dreg:$0x3] =	wrdreg s24  }
0xb6: {  	[dreg:$0x4] =	wrdreg $0x100400  }
0xb7: {  	[dreg:$0x5] =	wrdreg $0x9  }
0xb8: {  	_ =	task.clear_ibuf [dreg:s7], $0x6FFFF;
	_ =	strace $0x90000049  }
0xb9: {  	s29 =	simm.s32 $0x9;
	_ =	strace $0x8000004B  }
0xba: {  	_ =	swait.ge [sflag:s29], $0x1  }
0xbb: {  	[sflag:s29] =	ssyncadd.s32 $0xFFFFFFFF  }
0xbc: {  	_ =	strace $0x9000004B  }
0xbd: {  	_ =	sfence  }
0xbe: {  	s30 =	sld [smem:$0x0];
	_ =	sdelay $0x2  }
0xbf: {  	s31 =	sshll.u32 s1, $0xD;
	s1 =	sshrl.u32 s1, $0x2  }
0xc0: {  	s3 =	sand.u32 $0x4000, s31;
	s1 =	sadd.s32 s1, s30  }
0xc1: {  	s0 =	sor.u32 s3, s0;
	s1 =	sshll.u32 s1, $0x11  }
0xc2: {  	s0 =	sor.u32 s1, s0  }
0xc3: {  	s0 =	sadd.s32 $0x8F2B, s0  }
0xc4: {  	[sflag:s0] =	ssyncadd.remote.s32 $0x1  }
0xc5: {  	_ =	sfence.sel $0xFFFF  }
0xc6: {  	[dreg:$0x0] =	wrdreg $0xFFFFFFFF;
	(pc) =	sbr.abs _section_cstart, $3  }
0xc7: {  	[dreg:$0x1] =	wrdreg $0xFFFFFFFF  }
0xc8: {  	_ =	task.clear_ibuf [dreg:s7], $0x2FFFF;
	_ =	strace $0x9FFFFFFF  }
0xc9: {  	(tm) =	ssettm $0x7FFFFFFF  }
tec
execute0_lowered:
.L_overlay_start_1:
0x0: {  	(tag) =	ssettag $0x1  }
0x1: {  	s6 =	rddreg [dreg:$0x0]  }
0x2: {  	s4 =	rddreg [dreg:$0x1]  }
0x3: {  	s2 =	rddreg [dreg:$0x2]  }
0x4: {  	s0 =	rddreg [dreg:$0x3]  }
0x5: {  	s1 =	stileid.u32;
	s7 =	srdreg.scid;
	s3 =	simm.s32 $0x0  }
0x6: {  	s13 =	simm.s32 $0x9C40;
	s14 =	simm.s32 $0xB540;
	s15 =	simm.s32 $0xA0  }
0x7: {  	s16 =	simm.s32 $0xCE40;
	s17 =	simm.s32 $0xF0;
	s18 =	simm.s32 $0xE740  }
0x8: {  	s21 =	simm.s32 $0x1;
	s22 =	simm.s32 $0x2;
	s23 =	simm.s32 $0x3  }
0x9: {  	s24 =	simm.s32 $0x4;
	s25 =	simm.s32 $0x9BA0;
	s5 =	smul.u32 $0x9C4, s1  }
0xa: {  	s26 =	simm.s32 $0x9BF0;
	s28 =	simm.s32 $0x0;
	s8 =	smul.u32 $0xC350, s1  }
0xb: {  	s7 =	sand.u32 $0x1, s7;
	[smem:$0x7FF] =	sst s3;
	s19 =	sshll.u32 s1, $0x6  }
0xc: {  	s9 =	smul.u32 $0xC3500, s7;
	_ =	strace $0x8000004A;
	s7 =	ssub.s32 $0x2, s7  }
0xd: {  	s19 =	sor.u32 $0x1C05, s19;
	s5 =	sadd.s32 s5, s4;
	s11 =	sshrl.u32 s8, $0x3  }
0xe: {  	s12 =	sshrl.u32 s7, $0x1;
	s20 =	sadd.s32 s8, s2;
	s10 =	sadd.s32 s8, s9  }
0xf: {  	s11 =	sadd.s32 s11, s4;
	s12 =	ssub.s32 s7, s12;
	s31 =	sshrl.u32 s9, $0x3  }
0x10: {  	s20 =	sshrl.u32 s20, $0x3;
	s10 =	sshrl.u32 s10, $0x3;
	s6 =	sadd.s32 s6, s31  }
0x11: {  	s7 =	sadd.s32 $0x65400, s11;
	s9 =	smax.u32 s12, $0x1;
	s11 =	simm.s32 $0x4E20  }
0x12: {  	s12 =	simm.s32 $0x50;
	s10 =	sadd.s32 s10, s4;
	s4 =	sadd.s32 $0xD400, s5  }
0x13: {  	s5 =	sadd.s32 $0x3600, s5;
	s8 =	sadd.s32 $0xA4E00, s10;
	s10 =	simm.s32 $0x5  }
.LBB2_1:
0x14: {  	[tilespmem:s3], [sflag:$0x5] =	stream.linear.gather [hbm4b:s4+s3], $0x4E20, $0x38;
	[tilespmem:$0x1C390] =	vst v63  }
0x15: {  	_ =	swait.ge [sflag:s10], $0x4E20  }
0x16: {  	[sflag:s10] =	ssyncset.done $0x0  }
0x17: {  	[sflag:s10] =	ssyncadd.s32 $0xFFFFB1E0  }
0x18: {  	[tilespmem:s11], [sflag:$0x5] =	stream.linear.gather [hbm4b:s5+s3], $0x4E20, $0x38;
	[tilespmem:$0x1C390] =	vst v63  }
0x19: {  	_ =	swait.ge [sflag:s10], $0x4E20  }
0x1a: {  	[sflag:s10] =	ssyncset.done $0x0  }
0x1b: {  	[sflag:s10] =	ssyncadd.s32 $0xFFFFB1E0  }
0x1c: {  	[tilespmem:s13], [sflag:$0x1] =	stream.indirect.gather [hbm4b:s6+s12], $0x50, s3, s12, $0xb8;
	[tilespmem:$0x1C390] =	vst v63  }
0x1d: {  	_ = 	snop  }
0x1e: {  	[tilespmem:s14], [sflag:$0x2] =	stream.indirect.gather [hbm4b:s6+s12], $0x50, s12, s12, $0xb8;
	[tilespmem:$0x1C390] =	vst v63  }
0x1f: {  	_ = 	snop  }
0x20: {  	[tilespmem:s16], [sflag:$0x3] =	stream.indirect.gather [hbm4b:s6+s12], $0x50, s15, s12, $0xb8;
	[tilespmem:$0x1C390] =	vst v63  }
0x21: {  	_ = 	snop  }
0x22: {  	[tilespmem:s18], [sflag:$0x4] =	stream.indirect.gather [hbm4b:s6+s12], $0x50, s17, s12, $0xb8;
	[tilespmem:$0x1C390] =	vst v63  }
0x23: {  	[spmem:s20], [sflag:s19] =	dma.local [hbm:s7], $0x186A  }
0x24: {  	_ =	swait.ge [sflag:s10], $0x186A  }
0x25: {  	[sflag:s10] =	ssyncset.done $0x0  }
0x26: {  	[sflag:s10] =	ssyncadd.s32 $0xFFFFE796  }
0x27: {  	[bflag:$0x0] =	sbarrier.arrive $0xFFFF  }
0x28: {  	_ =	swait.ge [sflag:s21], $0x1900  }
0x29: {  	[sflag:s21] =	ssyncset.done $0x0  }
0x2a: {  	s29 =	simm.s32 $0x4E20;
	[sflag:s21] =	ssyncadd.s32 $0xFFFFE700  }
0x2b: {  	[spmem:s2] =	stream.indirect.scatter.add.f32 [tilespmem:s13], [sflag:$0x5], $0x50, s29, s12, $0xb8;
	[tilespmem:$0x1C390] =	vst v63  }
0x2c: {  	_ =	swait.ge [sflag:s10], $0x1900  }
0x2d: {  	[sflag:s10] =	ssyncset.done $0x0  }
0x2e: {  	s29 =	simm.s32 $0x140;
	[sflag:s10] =	ssyncadd.s32 $0xFFFFE700  }
0x2f: {  	[tilespmem:s13], [sflag:$0x1] =	stream.indirect.gather [hbm4b:s6+s12], $0x50, s29, s12, $0xb8;
	[tilespmem:$0x1C390] =	vst v63  }
0x30: {  	_ =	swait.ge [sflag:s22], $0x1900  }
0x31: {  	[sflag:s22] =	ssyncset.done $0x0  }
0x32: {  	s29 =	simm.s32 $0x4E70;
	[sflag:s22] =	ssyncadd.s32 $0xFFFFE700  }
0x33: {  	[spmem:s2] =	stream.indirect.scatter.add.f32 [tilespmem:s14], [sflag:$0x5], $0x50, s29, s12, $0xb8;
	[tilespmem:$0x1C390] =	vst v63  }
0x34: {  	_ =	swait.ge [sflag:s10], $0x1900  }
0x35: {  	[sflag:s10] =	ssyncset.done $0x0  }
0x36: {  	s29 =	simm.s32 $0x190;
	[sflag:s10] =	ssyncadd.s32 $0xFFFFE700  }
0x37: {  	[tilespmem:s14], [sflag:$0x2] =	stream.indirect.gather [hbm4b:s6+s12], $0x50, s29, s12, $0xb8;
	[tilespmem:$0x1C390] =	vst v63  }
0x38: {  	_ =	swait.ge [sflag:s23], $0x1900  }
0x39: {  	[sflag:s23] =	ssyncset.done $0x0  }
0x3a: {  	s29 =	simm.s32 $0x4EC0;
	[sflag:s23] =	ssyncadd.s32 $0xFFFFE700  }
0x3b: {  	[spmem:s2] =	stream.indirect.scatter.add.f32 [tilespmem:s16], [sflag:$0x5], $0x50, s29, s12, $0xb8;
	[tilespmem:$0x1C390] =	vst v63  }
0x3c: {  	_ =	swait.ge [sflag:s10], $0x1900  }
0x3d: {  	[sflag:s10] =	ssyncset.done $0x0  }
0x3e: {  	s29 =	simm.s32 $0x1E0;
	[sflag:s10] =	ssyncadd.s32 $0xFFFFE700  }
0x3f: {  	[tilespmem:s16], [sflag:$0x3] =	stream.indirect.gather [hbm4b:s6+s12], $0x50, s29, s12, $0xb8;
	[tilespmem:$0x1C390] =	vst v63  }
0x40: {  	_ =	swait.ge [sflag:s24], $0x1900  }
0x41: {  	[sflag:s24] =	ssyncset.done $0x0  }
0x42: {  	s29 =	simm.s32 $0x4F10;
	[sflag:s24] =	ssyncadd.s32 $0xFFFFE700  }
0x43: {  	[spmem:s2] =	stream.indirect.scatter.add.f32 [tilespmem:s18], [sflag:$0x5], $0x50, s29, s12, $0xb8;
	[tilespmem:$0x1C390] =	vst v63  }
0x44: {  	_ =	swait.ge [sflag:s10], $0x1900  }
0x45: {  	[sflag:s10] =	ssyncset.done $0x0  }
0x46: {  	s30 =	simm.s32 $0x230;
	s29 =	simm.s32 $0x500;
	[sflag:s10] =	ssyncadd.s32 $0xFFFFE700  }
.LBB2_2:
0x47: {  	[tilespmem:s18], [sflag:$0x4] =	stream.indirect.gather [hbm4b:s6+s12], $0x50, s30, s12, $0xb8;
	[tilespmem:$0x1C390] =	vst v63  }
0x48: {  	s30 =	smov.u32 s29;
	s29 =	sadd.s32 $0x500, s29;
	_ =	swait.ge [sflag:s21], $0x1900  }
0x49: {  	s30 =	sshra.s32 s30, $0x2;
	p0 =	sne.s32 s29, $0x13100;
	[sflag:s21] =	ssyncset.done $0x0  }
0x4a: {  	s31 =	sadd.s32 $0x4E20, s30;
	[sflag:s21] =	ssyncadd.s32 $0xFFFFE700  }
0x4b: {  	[spmem:s2] =	stream.indirect.scatter.add.f32 [tilespmem:s13], [sflag:$0x5], $0x50, s31, s12, $0xb8;
	[tilespmem:$0x1C390] =	vst v63  }
0x4c: {  	_ =	swait.ge [sflag:s10], $0x1900  }
0x4d: {  	[sflag:s10] =	ssyncset.done $0x0  }
0x4e: {  	s31 =	sadd.s32 $0x140, s30;
	[sflag:s10] =	ssyncadd.s32 $0xFFFFE700  }
0x4f: {  	[tilespmem:s13], [sflag:$0x1] =	stream.indirect.gather [hbm4b:s6+s12], $0x50, s31, s12, $0xb8;
	[tilespmem:$0x1C390] =	vst v63  }
0x50: {  	_ =	swait.ge [sflag:s22], $0x1900  }
0x51: {  	[sflag:s22] =	ssyncset.done $0x0  }
0x52: {  	s31 =	sadd.s32 $0x4E70, s30;
	[sflag:s22] =	ssyncadd.s32 $0xFFFFE700  }
0x53: {  	[spmem:s2] =	stream.indirect.scatter.add.f32 [tilespmem:s14], [sflag:$0x5], $0x50, s31, s12, $0xb8;
	[tilespmem:$0x1C390] =	vst v63  }
0x54: {  	_ =	swait.ge [sflag:s10], $0x1900  }
0x55: {  	[sflag:s10] =	ssyncset.done $0x0  }
0x56: {  	s31 =	sadd.s32 $0x190, s30;
	[sflag:s10] =	ssyncadd.s32 $0xFFFFE700  }
0x57: {  	[tilespmem:s14], [sflag:$0x2] =	stream.indirect.gather [hbm4b:s6+s12], $0x50, s31, s12, $0xb8;
	[tilespmem:$0x1C390] =	vst v63  }
0x58: {  	_ =	swait.ge [sflag:s23], $0x1900  }
0x59: {  	[sflag:s23] =	ssyncset.done $0x0  }
0x5a: {  	s31 =	sadd.s32 $0x4EC0, s30;
	[sflag:s23] =	ssyncadd.s32 $0xFFFFE700  }
0x5b: {  	[spmem:s2] =	stream.indirect.scatter.add.f32 [tilespmem:s16], [sflag:$0x5], $0x50, s31, s12, $0xb8;
	[tilespmem:$0x1C390] =	vst v63  }
0x5c: {  	_ =	swait.ge [sflag:s10], $0x1900  }
0x5d: {  	[sflag:s10] =	ssyncset.done $0x0  }
0x5e: {  	s31 =	sadd.s32 $0x1E0, s30;
	[sflag:s10] =	ssyncadd.s32 $0xFFFFE700  }
0x5f: {  	[tilespmem:s16], [sflag:$0x3] =	stream.indirect.gather [hbm4b:s6+s12], $0x50, s31, s12, $0xb8;
	[tilespmem:$0x1C390] =	vst v63  }
0x60: {  	_ =	swait.ge [sflag:s24], $0x1900  }
0x61: {  	[sflag:s24] =	ssyncset.done $0x0  }
.Ltmp0:
0x62: {  	s31 =	sadd.s32 $0x4F10, s30;
	[sflag:s24] =	ssyncadd.s32 $0xFFFFE700;
	(pc) =	sbr.rel @p0 .LBB2_2-.Ltmp0, $4  }
0x63: {  	[spmem:s2] =	stream.indirect.scatter.add.f32 [tilespmem:s18], [sflag:$0x5], $0x50, s31, s12, $0xb8;
	[tilespmem:$0x1C390] =	vst v63  }
0x64: {  	_ =	swait.ge [sflag:s10], $0x1900  }
0x65: {  	[sflag:s10] =	ssyncset.done $0x0  }
0x66: {  	s30 =	sadd.s32 $0x230, s30;
	[sflag:s10] =	ssyncadd.s32 $0xFFFFE700  }
0x67: {  	[tilespmem:s18], [sflag:$0x4] =	stream.indirect.gather [hbm4b:s6+s12], $0x50, s30, s12, $0xb8;
	[tilespmem:$0x1C390] =	vst v63  }
0x68: {  	_ =	swait.ge [sflag:s21], $0x1900  }
0x69: {  	s29 =	sshra.s32 s29, $0x2;
	[sflag:s21] =	ssyncset.done $0x0  }
0x6a: {  	s31 =	sadd.s32 $0x4E20, s29;
	[sflag:s21] =	ssyncadd.s32 $0xFFFFE700  }
0x6b: {  	[spmem:s2] =	stream.indirect.scatter.add.f32 [tilespmem:s13], [sflag:$0x5], $0x50, s31, s12, $0xb8;
	[tilespmem:$0x1C390] =	vst v63  }
0x6c: {  	_ =	swait.ge [sflag:s10], $0x1900  }
0x6d: {  	[sflag:s10] =	ssyncset.done $0x0  }
0x6e: {  	s31 =	sadd.s32 $0x140, s29;
	[sflag:s10] =	ssyncadd.s32 $0xFFFFE700  }
0x6f: {  	[tilespmem:s13], [sflag:$0x1] =	stream.indirect.gather [hbm4b:s6+s12], $0x50, s31, s12, $0xb8;
	[tilespmem:$0x1C390] =	vst v63  }
0x70: {  	_ =	swait.ge [sflag:s22], $0x1900  }
0x71: {  	[sflag:s22] =	ssyncset.done $0x0  }
0x72: {  	s31 =	sadd.s32 $0x4E70, s29;
	[sflag:s22] =	ssyncadd.s32 $0xFFFFE700  }
0x73: {  	[spmem:s2] =	stream.indirect.scatter.add.f32 [tilespmem:s14], [sflag:$0x5], $0x50, s31, s12, $0xb8;
	[tilespmem:$0x1C390] =	vst v63  }
0x74: {  	_ =	swait.ge [sflag:s10], $0x1900  }
0x75: {  	[sflag:s10] =	ssyncset.done $0x0  }
0x76: {  	s31 =	sadd.s32 $0x190, s29;
	[sflag:s10] =	ssyncadd.s32 $0xFFFFE700  }
0x77: {  	[tilespmem:s14], [sflag:$0x2] =	stream.indirect.gather [hbm4b:s6+s12], $0x50, s31, s12, $0xb8;
	[tilespmem:$0x1C390] =	vst v63  }
0x78: {  	_ =	swait.ge [sflag:s23], $0x1900  }
0x79: {  	[sflag:s23] =	ssyncset.done $0x0  }
0x7a: {  	s31 =	sadd.s32 $0x4EC0, s29;
	[sflag:s23] =	ssyncadd.s32 $0xFFFFE700  }
0x7b: {  	[spmem:s2] =	stream.indirect.scatter.add.f32 [tilespmem:s16], [sflag:$0x5], $0x50, s31, s12, $0xb8;
	[tilespmem:$0x1C390] =	vst v63  }
0x7c: {  	_ =	swait.ge [sflag:s10], $0x1900  }
0x7d: {  	[sflag:s10] =	ssyncset.done $0x0  }
0x7e: {  	[sflag:s10] =	ssyncadd.s32 $0xFFFFE700  }
0x7f: {  	_ =	swait.ge [sflag:s24], $0x1900  }
0x80: {  	[sflag:s24] =	ssyncset.done $0x0  }
0x81: {  	s29 =	sadd.s32 $0x4F10, s29;
	[sflag:s24] =	ssyncadd.s32 $0xFFFFE700  }
0x82: {  	[spmem:s2] =	stream.indirect.scatter.add.f32 [tilespmem:s18], [sflag:$0x5], $0x50, s29, s12, $0xb8;
	[tilespmem:$0x1C390] =	vst v63  }
0x83: {  	_ =	swait.ge [sflag:s10], $0x1900  }
0x84: {  	[sflag:s10] =	ssyncset.done $0x0  }
0x85: {  	[sflag:s10] =	ssyncadd.s32 $0xFFFFE700  }
0x86: {  	_ =	swait.ge [sflag:s21], $0x1900  }
0x87: {  	[sflag:s21] =	ssyncset.done $0x0  }
0x88: {  	[sflag:s21] =	ssyncadd.s32 $0xFFFFE700  }
0x89: {  	[spmem:s2] =	stream.indirect.scatter.add.f32 [tilespmem:s13], [sflag:$0x5], $0x50, s25, s12, $0xb8;
	[tilespmem:$0x1C390] =	vst v63  }
0x8a: {  	_ =	swait.ge [sflag:s10], $0x1900  }
0x8b: {  	[sflag:s10] =	ssyncset.done $0x0  }
0x8c: {  	[sflag:s10] =	ssyncadd.s32 $0xFFFFE700  }
0x8d: {  	_ =	swait.ge [sflag:s22], $0x1900  }
0x8e: {  	[sflag:s22] =	ssyncset.done $0x0  }
0x8f: {  	[sflag:s22] =	ssyncadd.s32 $0xFFFFE700  }
0x90: {  	[spmem:s2] =	stream.indirect.scatter.add.f32 [tilespmem:s14], [sflag:$0x5], $0x50, s26, s12, $0xb8;
	[tilespmem:$0x1C390] =	vst v63  }
0x91: {  	_ =	swait.ge [sflag:s10], $0x1900  }
0x92: {  	s28 =	sadd.s32 $0x1, s28;
	[sflag:s10] =	ssyncset.done $0x0  }
0x93: {  	p0 =	sne.s32 s28, s9;
	[sflag:s10] =	ssyncadd.s32 $0xFFFFE700  }
.Ltmp1:
0x94: {  	[bflag:$0x0] =	sbarrier.arrive $0xFFFF;
	(pc) =	sbr.rel @p0 .LBB2_1-.Ltmp1, $4  }
0x95: {  	[hbm:s8], [sflag:s19] =	dma.local [spmem:s20], $0x186A  }
0x96: {  	_ =	swait.ge [sflag:s10], $0x186A  }
0x97: {  	[sflag:s10] =	ssyncset.done $0x0  }
0x98: {  	[sflag:s10] =	ssyncadd.s32 $0xFFFFE796  }
0x99: {  	_ =	sfence.sel $0x180000  }
0x9a: {  	[bflag:$0x0] =	sbarrier.arrive $0xFFFF  }
0x9b: {  	p0 =	sne.s32 s1, $0x0;
	_ =	strace $0x9000004A  }
0x9c: {  	s0 =	sadd.s32 @!p0 $0x100000, s0;
	[bflag:$0x2] =	sbarrier.arrive $0xFFFF  }
0x9d: {  	[sflag:s0] =	ssyncadd.tile.s32 @!p0 $0x1;
	_ =	shalt  }
.Lfunc_end2:
_tile_overlayer_lowered:
.L_overlay_start_2:
0x9e: {  	(tag) =	ssettag $0x2  }
0x9f: {  	s0 =	rddreg [dreg:$0x0];
	s2 =	stileid.u32  }
0xa0: {  	s1 =	rddreg [dreg:$0x1];
	p0 =	sne.s32 s2, $0x0  }
0xa1: {  	s3 =	rddreg [dreg:$0x2];
	[bflag:$0x3] =	sbarrier.arrive $0xFFFF;
	s2 =	simm.s32 @!p0 $0x1C05  }
0xa2: {  	[timem:s3], [sflag:s2] =	dma.local @!p0 [hbm:s0], s1  }
0xa3: {  	s0 =	simm.s32 @!p0 $0x5  }
0xa4: {  	_ =	swait.ge @!p0 [sflag:s0], s1  }
0xa5: {  	s1 =	ssub.s32 @!p0 $0x0, s1;
	[sflag:s0] =	ssyncset.done @!p0 $0x0  }
0xa6: {  	[sflag:s0] =	ssyncadd.s32 @!p0 s1  }
0xa7: {  	[bflag:$0x3] =	sbarrier.arrive $0xFFFF  }
0xa8: {  	_ =	shalt  }

// kernel: kernel.7.cloned.1.call-start
scs
__scs_entry_jumppad:
0x0: {  	(pc) =	sbr.rel $0x88, $3  }
0x1: {  	(tag) =	ssettag $0x0;
	lr =	simm.s32 $0x1  }
0x2: {  	[smem:$0x3F88] =	sst lr;
	_ =	strace $0xD0000000  }
0x3: {  	_ = 	snop  }
0x4: {  	_ = 	snop  }
0x5: {  	_ = 	snop  }
0x6: {  	_ = 	snop  }
0x7: {  	_ = 	snop  }
__scs_overlays_trampoline_lowered:
0x8: {  	[smem:$0x3F97] =	sst s0  }
0x9: {  	[smem:$0x3F98] =	sst s1  }
0xa: {  	[smem:$0x3F99] =	sst s2  }
0xb: {  	[smem:$0x3F9A] =	sst s3  }
0xc: {  	[smem:$0x3F9B] =	sst s4  }
0xd: {  	[smem:$0x3F9C] =	sst s5  }
0xe: {  	[smem:$0x3F9D] =	sst s6  }
0xf: {  	[smem:$0x3F9E] =	sst s7  }
0x10: {  	[smem:$0x3F9F] =	sst s8  }
0x11: {  	[smem:$0x3FA0] =	sst s9;
	s0 =	simm.s32 @!p0 $0x0  }
0x12: {  	s1 =	sld [smem:$0x3F86];
	s0 =	simm.s32 @p0 $0x1  }
0x13: {  	[smem:$0x3FA1] =	sst s0;
	s0 =	simm.s32 @!p1 $0x0  }
0x14: {  	s2 =	sld [smem:$0x3F85];
	s0 =	simm.s32 @p1 $0x1  }
0x15: {  	[smem:$0x3FA2] =	sst s0;
	s0 =	simm.s32 @!p2 $0x0  }
0x16: {  	s3 =	sld [smem:$0x3FDB];
	s0 =	simm.s32 @p2 $0x1  }
0x17: {  	s4 =	simm.s32 $0x1BF5;
	[smem:$0x3FA4] =	sst s0  }
0x18: {  	s0 =	sld [smem:$0x3F87];
	_ =	swait.ge [sflag:s4], $0x0  }
0x19: {  	s7 =	sld [smem:$0x3F88]  }
0x1a: {  	s8 =	sadd.s32 $0xFFFFE003, lr  }
0x1b: {  	s9 =	sadd.s32 $0xFFFFFEF7, lr;
	s5 =	simm.s32 $0xFFFFFFFF;
	p2 =	slt.u32 s8, $0xFFFFF086  }
0x1c: {  	p1 =	slt.u32 s9, $0xF7A;
	s5 =	simm.s32 @!p2 $0x0  }
0x1d: {  	s5 =	simm.s32 @p1 $0x1;
	p0 =	seq.s32 s7, s2  }
0x1e: {  	s7 =	smul.u32 @!p0 $0xF7A, s2;
	p2 =	seq.s32 @!p0 s5, $0x0  }
0x1f: {  	s9 =	smul.u32 $0xF7A, s1;
	s8 =	simm.s32 @!p0 $0x1BF5;
	p2 =	por !p2, p0  }
0x20: {  	[sflag:s8] =	ssyncset.s32 @!p0 $0xFFFFF086;
	s6 =	sadd.s32 @!p0 s3, s7;
	s7 =	simm.s32 @!p0 $0x108  }
0x21: {  	s3 =	sadd.s32 s3, s9;
	s6 =	sadd.s32 @!p0 $0x88, s6;
	s7 =	simm.s32 @p2 $0x1082  }
0x22: {  	[simem:s7], [sflag:s8] =	dma.local @!p0 [hbm:s6], $0xF7A  }
0x23: {  	s9 =	sor.u32 $0xD0000000, s2;
	s6 =	simm.s32 $0x108;
	_ =	swait.ge @!p0 [sflag:s8], $0x0  }
0x24: {  	s3 =	sadd.s32 $0x88, s3;
	s6 =	simm.s32 @!p1 $0x1082;
	[sflag:s4] =	ssyncset.s32 $0xFFFFF086  }
0x25: {  	[simem:s6], [sflag:s4] =	dma.local [hbm:s3], $0xF7A  }
0x26: {  	[smem:$0x3F88] =	sst s1;
	(tag) =	ssettag s2;
	_ =	strace s9  }
0x27: {  	s1 =	sld [smem:$0x3F98]  }
0x28: {  	s2 =	sld [smem:$0x3F99]  }
0x29: {  	s4 =	sld [smem:$0x3F9B]  }
0x2a: {  	p0 =	seq.s32 s5, $0x0;
	s5 =	sld [smem:$0x3F9C]  }
0x2b: {  	s6 =	sld [smem:$0x3F9D]  }
0x2c: {  	s7 =	sld [smem:$0x3F9E]  }
0x2d: {  	s3 =	simm.s32 $0x108;
	s8 =	sld [smem:$0x3F9F]  }
0x2e: {  	s3 =	simm.s32 @!p0 $0x1082;
	s9 =	sld [smem:$0x3FA0]  }
0x2f: {  	lr =	sadd.s32 s0, s3;
	s0 =	sld [smem:$0x3F97]  }
0x30: {  	s3 =	sld [smem:$0x3F9A]  }
0x31: {  	[smem:$0x3FA3] =	sst s10  }
0x32: {  	s10 =	sld [smem:$0x3FA1];
	_ =	sdelay $0x3  }
0x33: {  	p0 =	seq.s32 s10, $0x1;
	s10 =	sld [smem:$0x3FA3];
	_ =	sdelay $0x3  }
0x34: {  	[smem:$0x3FA3] =	sst s10  }
0x35: {  	s10 =	sld [smem:$0x3FA2];
	_ =	sdelay $0x3  }
0x36: {  	p1 =	seq.s32 s10, $0x1;
	s10 =	sld [smem:$0x3FA3];
	_ =	sdelay $0x3  }
0x37: {  	[smem:$0x3FA3] =	sst s10  }
0x38: {  	s10 =	sld [smem:$0x3FA4]  }
0x39: {  	_ = 	snop;
	(pc) =	sbr.ind lr, $3  }
0x3a: {  	_ = 	snop  }
0x3b: {  	_ = 	snop  }
0x3c: {  	p2 =	seq.s32 s10, $0x1;
	s10 =	sld [smem:$0x3FA3]  }
0x3d: {  	_ =	shalt  }
0x3e: {  	_ =	shalt  }
0x3f: {  	_ =	shalt  }
0x40: {  	_ =	shalt  }
0x41: {  	_ =	shalt  }
0x42: {  	_ =	shalt  }
0x43: {  	_ =	shalt  }
0x44: {  	_ =	shalt  }
0x45: {  	_ =	shalt  }
0x46: {  	_ =	shalt  }
0x47: {  	_ =	shalt  }
0x48: {  	_ =	shalt  }
0x49: {  	_ =	shalt  }
0x4a: {  	_ =	shalt  }
0x4b: {  	_ =	shalt  }
0x4c: {  	_ =	shalt  }
0x4d: {  	_ =	shalt  }
0x4e: {  	_ =	shalt  }
0x4f: {  	_ =	shalt  }
0x50: {  	_ =	shalt  }
0x51: {  	_ =	shalt  }
0x52: {  	_ =	shalt  }
0x53: {  	_ =	shalt  }
0x54: {  	_ =	shalt  }
0x55: {  	_ =	shalt  }
0x56: {  	_ =	shalt  }
0x57: {  	_ =	shalt  }
0x58: {  	_ =	shalt  }
0x59: {  	_ =	shalt  }
0x5a: {  	_ =	shalt  }
0x5b: {  	_ =	shalt  }
0x5c: {  	_ =	shalt  }
0x5d: {  	_ =	shalt  }
0x5e: {  	_ =	shalt  }
0x5f: {  	_ =	shalt  }
0x60: {  	_ =	shalt  }
0x61: {  	_ =	shalt  }
0x62: {  	_ =	shalt  }
0x63: {  	_ =	shalt  }
0x64: {  	_ =	shalt  }
0x65: {  	_ =	shalt  }
0x66: {  	_ =	shalt  }
0x67: {  	_ =	shalt  }
0x68: {  	_ =	shalt  }
0x69: {  	_ =	shalt  }
0x6a: {  	_ =	shalt  }
0x6b: {  	_ =	shalt  }
0x6c: {  	_ =	shalt  }
0x6d: {  	_ =	shalt  }
0x6e: {  	_ =	shalt  }
0x6f: {  	_ =	shalt  }
0x70: {  	_ =	shalt  }
0x71: {  	_ =	shalt  }
0x72: {  	_ =	shalt  }
0x73: {  	_ =	shalt  }
0x74: {  	_ =	shalt  }
0x75: {  	_ =	shalt  }
0x76: {  	_ =	shalt  }
0x77: {  	_ =	shalt  }
0x78: {  	_ =	shalt  }
0x79: {  	_ =	shalt  }
0x7a: {  	_ =	shalt  }
0x7b: {  	_ =	shalt  }
0x7c: {  	_ =	shalt  }
0x7d: {  	_ =	shalt  }
0x7e: {  	_ =	shalt  }
0x7f: {  	_ =	shalt  }
0x80: {  	_ =	shalt  }
0x81: {  	_ =	shalt  }
0x82: {  	_ =	shalt  }
0x83: {  	_ =	shalt  }
0x84: {  	_ =	shalt  }
0x85: {  	_ =	shalt  }
0x86: {  	_ =	shalt  }
0x87: {  	_ =	shalt  }
.Lfunc_end0:
.L_simem_size_0:
called_computation_lowered:
.L_overlay_start_0:
0x88: {  	s2 =	sld [smem:$0x3FD9]  }
0x89: {  	s3 =	sld [smem:$0x3FFE];
	_ =	sdelay $0x1  }
0x8a: {  	s1 =	srdreg.scid  }
0x8b: {  	s0 =	sand.u32 $0x1, s1  }
0x8c: {  	s14 =	sshll.u32 s0, $0xA;
	s2 =	sadd.s32 s3, s2  }
0x8d: {  	s2 =	sadd.s32 s2, s14  }
0x8e: {  	[smem:$0x3FAF] =	sst s2  }
0x8f: {  	_ = 	snop  }
0x90: {  	s2 =	sld [smem:$0x3FD0];
	_ =	sdelay $0x2  }
0x91: {  	s15 =	simm.s32 $0xA;
	s4 =	simm.s32 $0x10  }
0x92: {  	[smem:s4], [sflag:s15] =	dma.local [hbm:s2], $0x1  }
0x93: {  	_ =	swait.eq [sflag:s15], $0x1  }
0x94: {  	[sflag:s15] =	ssyncset.done $0x0  }
0x95: {  	s16 =	sld [smem:$0x10];
	[sflag:s15] =	ssyncadd.s32 $0xFFFFFFFF  }
0x96: {  	s17 =	sld [smem:$0x11];
	(tm) =	ssettm $0x1  }
0x97: {  	s18 =	sld [smem:$0x3FFB];
	_ =	sdelay $0x3  }
0x98: {  	_ =	strace s18  }
0x99: {  	s4 =	sld [smem:$0x3FFC];
	_ =	sdelay $0x3  }
0x9a: {  	_ =	strace s4  }
0x9b: {  	s4 =	sld [smem:$0x3FFD];
	_ =	sdelay $0x3  }
0x9c: {  	_ =	strace s4  }
0x9d: {  	_ =	strace $0x8FFFFFFF  }
0x9e: {  	s19 =	sld [smem:$0x3FDB];
	_ =	sdelay $0x1  }
0x9f: {  	s5 =	simm.s32 $_scs_section_size  }
0xa0: {  	s6 =	simm.s32 $_size__tile_overlayer_lowered;
	s7 =	simm.s32 $_tile_overlayer_lowered  }
0xa1: {  	s22 =	simm.s32 $0x1BFF;
	s21 =	sshll.u32 s7, $0x1;
	s4 =	sadd.s32 s5, s19  }
0xa2: {  	s8 =	simm.s32 $0x0;
	s20 =	sshll.u32 s6, $0x1;
	s6 =	sadd.s32 s21, s4  }
0xa3: {  	[timem:s8], [sflag:s22] =	dma.local [hbm:s6], s20  }
0xa4: {  	_ =	swait.ge [sflag:s22], s20  }
0xa5: {  	s5 =	ssub.s32 $0x0, s20;
	[sflag:s22] =	ssyncset.done $0x0  }
0xa6: {  	[sflag:s22] =	ssyncadd.s32 s5;
	_ =	sdelay $0x1  }
0xa7: {  	s23 =	simm.s32 $0x1B8B  }
0xa8: {  	_ =	swait.ge [sflag:s23], $0x1  }
0xa9: {  	[sflag:s23] =	ssyncset.done $0x0  }
0xaa: {  	s25 =	simm.s32 $0x1B8E;
	s24 =	sld [smem:$0x3FFE];
	[sflag:s23] =	ssyncadd.s32 $0xFFFFFFFF  }
0xab: {  	s26 =	simm.s32 $execute0_lowered;
	[smem:$0x3FD2] =	sst s25  }
0xac: {  	s6 =	sshll.u32 s26, $0x1;
	_ =	strace $0x80000046;
	[dreg:$0x1] =	wrdreg $0xFFFFFFFF  }
0xad: {  	s28 =	simm.s32 $_size_execute0_lowered;
	s4 =	sadd.s32 s4, s6;
	[dreg:$0x0] =	wrdreg $0x0  }
0xae: {  	s6 =	sshll.u32 s28, $0x1;
	[dreg:$0x2] =	wrdreg s4  }
0xaf: {  	[dreg:$0x3] =	wrdreg s6  }
0xb0: {  	[dreg:$0x4] =	wrdreg $0xC0  }
0xb1: {  	_ =	task [dreg:s8], $0x5FFFF  }
0xb2: {  	[dreg:$0x1] =	wrdreg $0xFFFFFFFF  }
0xb3: {  	[dreg:$0x0] =	wrdreg $0x60  }
0xb4: {  	[dreg:$0x2] =	wrdreg s17  }
0xb5: {  	[dreg:$0x3] =	wrdreg s24  }
0xb6: {  	[dreg:$0x4] =	wrdreg s16  }
0xb7: {  	[dreg:$0x5] =	wrdreg $0x10E500  }
0xb8: {  	[dreg:$0x6] =	wrdreg $0x9  }
0xb9: {  	_ =	task.clear_ibuf [dreg:s8], $0x7FFFF;
	_ =	strace $0x90000046  }
0xba: {  	s29 =	simm.s32 $0x9;
	_ =	strace $0x80000048  }
0xbb: {  	_ =	swait.ge [sflag:s29], $0x1  }
0xbc: {  	[sflag:s29] =	ssyncadd.s32 $0xFFFFFFFF  }
0xbd: {  	_ =	strace $0x90000048  }
0xbe: {  	_ =	sfence  }
0xbf: {  	s30 =	sld [smem:$0x0];
	_ =	sdelay $0x2  }
0xc0: {  	s31 =	sshll.u32 s1, $0xD;
	s1 =	sshrl.u32 s1, $0x2  }
0xc1: {  	s3 =	sand.u32 $0x4000, s31;
	s1 =	sadd.s32 s1, s30  }
0xc2: {  	s0 =	sor.u32 s3, s0;
	s1 =	sshll.u32 s1, $0x11  }
0xc3: {  	s0 =	sor.u32 s1, s0  }
0xc4: {  	s0 =	sadd.s32 $0x8F2B, s0  }
0xc5: {  	[sflag:s0] =	ssyncadd.remote.s32 $0x1  }
0xc6: {  	_ =	sfence.sel $0xFFFF  }
0xc7: {  	[dreg:$0x0] =	wrdreg $0xFFFFFFFF;
	(pc) =	sbr.abs _section_cstart, $3  }
0xc8: {  	[dreg:$0x1] =	wrdreg $0xFFFFFFFF  }
0xc9: {  	_ =	task.clear_ibuf [dreg:s8], $0x2FFFF;
	_ =	strace $0x9FFFFFFF  }
0xca: {  	(tm) =	ssettm $0x7FFFFFFF  }
0xcb: {  	_ =	shalt  }
tec
execute0_lowered:
.L_overlay_start_1:
0x0: {  	(tag) =	ssettag $0x1  }
0x1: {  	s0 =	rddreg [dreg:$0x0]  }
0x2: {  	s1 =	rddreg [dreg:$0x1]  }
0x3: {  	s3 =	rddreg [dreg:$0x3];
	s18 =	stileid.u32  }
0x4: {  	s5 =	srdreg.scid;
	s4 =	simm.s32 $0x0;
	s15 =	simm.s32 $0x50  }
0x5: {  	s16 =	simm.s32 $0x9C40;
	s17 =	simm.s32 $0xB540;
	s19 =	simm.s32 $0xCE40  }
0x6: {  	s23 =	simm.s32 $0x1;
	s24 =	simm.s32 $0x2;
	s2 =	smul.u32 $0x9C4, s18  }
0x7: {  	s26 =	simm.s32 $0x0;
	s8 =	smul.u32 $0xC350, s18;
	s5 =	sand.u32 $0x1, s5  }
0x8: {  	[smem:$0x7FF] =	sst s4;
	s10 =	smul.u32 $0x4E2, s18;
	s31 =	sshll.u32 s18, $0x6  }
0x9: {  	s6 =	smul.u32 $0xC3500, s5;
	_ =	strace $0x80000047;
	s11 =	ssub.s32 $0x2, s5  }
0xa: {  	s20 =	sor.u32 $0x1C04, s31;
	p0 =	sne.s32 s5, $0x0;
	s2 =	sadd.s32 s2, s1  }
0xb: {  	s7 =	sshrl.u32 s8, $0x3;
	s28 =	sshrl.u32 s11, $0x1;
	s9 =	sadd.s32 s8, s6  }
0xc: {  	s12 =	sadd.s32 s7, s1;
	s14 =	ssub.s32 s11, s28;
	s30 =	sadd.s32 $0xD400, s2  }
0xd: {  	s29 =	sshrl.u32 s6, $0x3;
	s2 =	sadd.s32 $0x3600, s2;
	[dreg:$0x5] =	wrdreg s30  }
0xe: {  	s8 =	sadd.s32 s8, s3;
	s9 =	sshrl.u32 s9, $0x3;
	[dreg:$0x6] =	wrdreg s2  }
0xf: {  	s7 =	sadd.s32 s0, s29;
	s21 =	sshrl.u32 s8, $0x3;
	s13 =	sadd.s32 s9, s1  }
0x10: {  	s1 =	sadd.s32 s10, s1;
	s9 =	sadd.s32 $0x65400, s12;
	s12 =	smax.u32 s14, $0x1  }
0x11: {  	s10 =	sadd.s32 $0x82C00, s13;
	s11 =	sadd.s32 $0x7DC00, s1;
	s13 =	simm.s32 $0x4  }
.LBB2_1:
0x12: {  	s0 =	rddreg [dreg:$0x5]  }
0x13: {  	[tilespmem:s4], [sflag:$0x4] =	stream.linear.gather [hbm4b:s0+s4], $0x4E20, $0x38;
	[tilespmem:$0x1D1A0] =	vst v63  }
0x14: {  	_ =	swait.ge [sflag:s13], $0x4E20  }
0x15: {  	[sflag:s13] =	ssyncset.done $0x0  }
0x16: {  	s1 =	simm.s32 $0x4E20;
	s25 =	rddreg [dreg:$0x6];
	[sflag:s13] =	ssyncadd.s32 $0xFFFFB1E0  }
0x17: {  	[tilespmem:s1], [sflag:$0x4] =	stream.linear.gather [hbm4b:s25+s4], $0x4E20, $0x38;
	[tilespmem:$0x1D1A0] =	vst v63  }
0x18: {  	_ =	swait.ge [sflag:s13], $0x4E20  }
0x19: {  	[sflag:s13] =	ssyncset.done $0x0  }
0x1a: {  	[sflag:s13] =	ssyncadd.s32 $0xFFFFB1E0  }
0x1b: {  	[tilespmem:s16], [sflag:$0x1] =	stream.indirect.gather [hbm4b:s7+s15], $0x50, s4, s15, $0xb8;
	[tilespmem:$0x1D1A0] =	vst v63  }
0x1c: {  	_ = 	snop  }
0x1d: {  	[tilespmem:s17], [sflag:$0x2] =	stream.indirect.gather [hbm4b:s7+s15], $0x50, s15, s15, $0xb8;
	[tilespmem:$0x1D1A0] =	vst v63  }
0x1e: {  	s28 =	simm.s32 $0xA0  }
0x1f: {  	[tilespmem:s19], [sflag:$0x3] =	stream.indirect.gather [hbm4b:s7+s15], $0x50, s28, s15, $0xb8;
	[tilespmem:$0x1D1A0] =	vst v63  }
0x20: {  	[spmem:s21], [sflag:s20] =	dma.local [hbm:s9], $0x186A  }
0x21: {  	_ =	swait.ge [sflag:s13], $0x186A  }
0x22: {  	[sflag:s13] =	ssyncset.done $0x0  }
0x23: {  	[sflag:s13] =	ssyncadd.s32 $0xFFFFE796  }
0x24: {  	s31 =	simm.s32 $0xE740;
	s29 =	rddreg [dreg:$0x2]  }
0x25: {  	[tilespmem:s31], [sflag:$0x4] =	stream.linear.gather [hbm4b:s29+s4], $0x2710, $0x38;
	[tilespmem:$0x1D1A0] =	vst v63  }
0x26: {  	_ =	swait.ge [sflag:s13], $0x2710  }
0x27: {  	[sflag:s13] =	ssyncset.done $0x0  }
0x28: {  	[sflag:s13] =	ssyncadd.s32 $0xFFFFD8F0  }
0x29: {  	s30 =	simm.s32 $0x0;
	[bflag:$0x0] =	sbarrier.arrive $0xFFFF  }
.LBB2_2:
0x2a: {  	_ =	swait.ge [sflag:s23], $0x1900  }
0x2b: {  	s18 =	sshra.s32 s30, $0x2;
	[sflag:s23] =	ssyncset.done $0x0  }
0x2c: {  	s0 =	sadd.s32 $0x4E20, s18;
	[sflag:s23] =	ssyncadd.s32 $0xFFFFE700  }
0x2d: {  	[spmem:s3] =	stream.indirect.scatter.add.f32 [tilespmem:s16], [sflag:$0x4], $0x50, s0, s15, $0xb8;
	[tilespmem:$0x1D1A0] =	vst v63  }
0x2e: {  	_ =	swait.ge [sflag:s13], $0x1900  }
0x2f: {  	[sflag:s13] =	ssyncset.done $0x0  }
0x30: {  	s5 =	sshra.s32 @!p0 s30, $0x2;
	[sflag:s13] =	ssyncadd.s32 $0xFFFFE700  }
0x31: {  	v1 =	vld @!p0 [tilespmem:s5+$0x4E20];
	_ =	sdelay $0x6  }
0x32: {  	v0 =	vimm.f32 @!p0 $1.000000000e+00;
	s28 =	simm.s32 @!p0 $0xE740  }
0x33: {  	[tilespmem:v1+s28+$0x0] =	vst.idx.add.f32.msk @!p0 $0xffff, v0  }
0x34: {  	v1 =	vld @!p0 [tilespmem:s5+$0x4E30];
	_ =	sdelay $0x7  }
0x35: {  	[tilespmem:v1+s28+$0x0] =	vst.idx.add.f32.msk @!p0 $0xffff, v0  }
0x36: {  	v1 =	vld @!p0 [tilespmem:s5+$0x4E40];
	_ =	sdelay $0x7  }
0x37: {  	[tilespmem:v1+s28+$0x0] =	vst.idx.add.f32.msk @!p0 $0xffff, v0  }
0x38: {  	v1 =	vld @!p0 [tilespmem:s5+$0x4E50];
	_ =	sdelay $0x7  }
0x39: {  	[tilespmem:v1+s28+$0x0] =	vst.idx.add.f32.msk @!p0 $0xffff, v0  }
0x3a: {  	v1 =	vld @!p0 [tilespmem:s5+$0x4E60];
	_ =	sdelay $0x7  }
0x3b: {  	s6 =	sadd.s32 $0xF0, s18;
	[tilespmem:v1+s28+$0x0] =	vst.idx.add.f32.msk @!p0 $0xffff, v0  }
0x3c: {  	[tilespmem:s16], [sflag:$0x1] =	stream.indirect.gather [hbm4b:s7+s15], $0x50, s6, s15, $0xb8;
	[tilespmem:$0x1D1A0] =	vst v63  }
0x3d: {  	_ =	swait.ge [sflag:s24], $0x1900  }
0x3e: {  	[sflag:s24] =	ssyncset.done $0x0  }
0x3f: {  	s14 =	sadd.s32 $0x4E70, s18;
	[sflag:s24] =	ssyncadd.s32 $0xFFFFE700  }
0x40: {  	[spmem:s3] =	stream.indirect.scatter.add.f32 [tilespmem:s17], [sflag:$0x4], $0x50, s14, s15, $0xb8;
	[tilespmem:$0x1D1A0] =	vst v63  }
0x41: {  	s2 =	sshra.s32 @p0 s30, $0x2;
	_ =	swait.ge [sflag:s13], $0x1900  }
0x42: {  	s1 =	sadd.s32 @p0 $0x140, s2;
	[sflag:s13] =	ssyncset.done $0x0  }
0x43: {  	s0 =	simm.s32 @p0 $0x50;
	s14 =	simm.s32 @p0 $0xB540;
	[sflag:s13] =	ssyncadd.s32 $0xFFFFE700  }
0x44: {  	[tilespmem:s14], [sflag:$0x2] =	stream.indirect.gather @p0 [hbm4b:s7+s0], $0x50, s1, s0, $0xb8;
	[tilespmem:$0x1D1A0] =	vst v63  }
0x45: {  	s1 =	simm.s32 @p0 $0x3  }
0x46: {  	_ =	swait.ge @p0 [sflag:s1], $0x1900  }
0x47: {  	s29 =	simm.s32 @p0 $0x4;
	[sflag:s1] =	ssyncset.done @p0 $0x0  }
0x48: {  	s2 =	sadd.s32 @p0 $0x4EC0, s2;
	s14 =	simm.s32 @p0 $0xCE40;
	[sflag:s1] =	ssyncadd.s32 @p0 $0xFFFFE700  }
0x49: {  	[spmem:s3] =	stream.indirect.scatter.add.f32 @p0 [tilespmem:s14], [sflag:$0x4], $0x50, s2, s0, $0xb8;
	[tilespmem:$0x1D1A0] =	vst v63  }
0x4a: {  	_ =	swait.ge @p0 [sflag:s29], $0x1900  }
0x4b: {  	[sflag:s29] =	ssyncset.done @p0 $0x0  }
0x4c: {  	[sflag:s29] =	ssyncadd.s32 @p0 $0xFFFFE700  }
0x4d: {  	v1 =	vld @!p0 [tilespmem:s18+$0x4E70];
	_ =	sdelay $0x7  }
0x4e: {  	[tilespmem:v1+s28+$0x0] =	vst.idx.add.f32.msk @!p0 $0xffff, v0  }
0x4f: {  	v1 =	vld @!p0 [tilespmem:s5+$0x4E80];
	_ =	sdelay $0x7  }
0x50: {  	[tilespmem:v1+s28+$0x0] =	vst.idx.add.f32.msk @!p0 $0xffff, v0  }
0x51: {  	v1 =	vld @!p0 [tilespmem:s5+$0x4E90];
	_ =	sdelay $0x7  }
0x52: {  	[tilespmem:v1+s28+$0x0] =	vst.idx.add.f32.msk @!p0 $0xffff, v0  }
0x53: {  	v1 =	vld @!p0 [tilespmem:s5+$0x4EA0];
	_ =	sdelay $0x7  }
0x54: {  	[tilespmem:v1+s28+$0x0] =	vst.idx.add.f32.msk @!p0 $0xffff, v0  }
0x55: {  	v1 =	vld @!p0 [tilespmem:s5+$0x4EB0];
	_ =	sdelay $0x7  }
0x56: {  	s25 =	simm.s32 @!p0 $0xB540;
	s22 =	sadd.s32 @!p0 $0x140, s5;
	s2 =	simm.s32 @!p0 $0x50;
	[tilespmem:v1+s28+$0x0] =	vst.idx.add.f32.msk @!p0 $0xffff, v0  }
0x57: {  	[tilespmem:s25], [sflag:$0x2] =	stream.indirect.gather @!p0 [hbm4b:s7+s2], $0x50, s22, s2, $0xb8;
	[tilespmem:$0x1D1A0] =	vst v63  }
0x58: {  	s22 =	simm.s32 @!p0 $0x3  }
0x59: {  	_ =	swait.ge @!p0 [sflag:s22], $0x1900  }
0x5a: {  	[sflag:s22] =	ssyncset.done @!p0 $0x0  }
0x5b: {  	s31 =	sadd.s32 @!p0 $0x4EC0, s5;
	s25 =	simm.s32 @!p0 $0xCE40;
	[sflag:s22] =	ssyncadd.s32 @!p0 $0xFFFFE700  }
0x5c: {  	[spmem:s3] =	stream.indirect.scatter.add.f32 @!p0 [tilespmem:s25], [sflag:$0x4], $0x50, s31, s2, $0xb8;
	[tilespmem:$0x1D1A0] =	vst v63  }
0x5d: {  	s31 =	simm.s32 @!p0 $0x4  }
0x5e: {  	_ =	swait.ge @!p0 [sflag:s31], $0x1900  }
0x5f: {  	[sflag:s31] =	ssyncset.done @!p0 $0x0  }
0x60: {  	[sflag:s31] =	ssyncadd.s32 @!p0 $0xFFFFE700  }
0x61: {  	v1 =	vld @!p0 [tilespmem:s5+$0x4EC0];
	_ =	sdelay $0x7  }
0x62: {  	[tilespmem:v1+s28+$0x0] =	vst.idx.add.f32.msk @!p0 $0xffff, v0  }
0x63: {  	v1 =	vld @!p0 [tilespmem:s5+$0x4ED0];
	_ =	sdelay $0x7  }
0x64: {  	[tilespmem:v1+s28+$0x0] =	vst.idx.add.f32.msk @!p0 $0xffff, v0  }
0x65: {  	v1 =	vld @!p0 [tilespmem:s5+$0x4EE0];
	_ =	sdelay $0x7  }
0x66: {  	[tilespmem:v1+s28+$0x0] =	vst.idx.add.f32.msk @!p0 $0xffff, v0  }
0x67: {  	v1 =	vld @!p0 [tilespmem:s5+$0x4EF0];
	_ =	sdelay $0x7  }
0x68: {  	[tilespmem:v1+s28+$0x0] =	vst.idx.add.f32.msk @!p0 $0xffff, v0  }
0x69: {  	v1 =	vld @!p0 [tilespmem:s5+$0x4F00];
	_ =	sdelay $0x2  }
0x6a: {  	s30 =	sadd.s32 $0x3C0, s30  }
0x6b: {  	p1 =	sne.s32 s30, $0x13380  }
.Ltmp0:
0x6c: {  	_ = 	snop;
	(pc) =	sbr.rel @p1 .LBB2_2-.Ltmp0, $3  }
0x6d: {  	_ =	sdelay $0x1  }
0x6e: {  	s18 =	sadd.s32 $0x190, s18;
	[tilespmem:v1+s28+$0x0] =	vst.idx.add.f32.msk @!p0 $0xffff, v0  }
0x6f: {  	[tilespmem:s19], [sflag:$0x3] =	stream.indirect.gather [hbm4b:s7+s15], $0x50, s18, s15, $0xb8;
	[tilespmem:$0x1D1A0] =	vst v63  }
0x70: {  	_ =	swait.ge [sflag:s23], $0x1900  }
0x71: {  	s5 =	sshra.s32 s30, $0x2;
	[sflag:s23] =	ssyncset.done $0x0  }
0x72: {  	s18 =	sadd.s32 $0x4E20, s5;
	[sflag:s23] =	ssyncadd.s32 $0xFFFFE700  }
0x73: {  	[spmem:s3] =	stream.indirect.scatter.add.f32 [tilespmem:s16], [sflag:$0x4], $0x50, s18, s15, $0xb8;
	[tilespmem:$0x1D1A0] =	vst v63  }
0x74: {  	_ =	swait.ge [sflag:s13], $0x1900  }
0x75: {  	[sflag:s13] =	ssyncset.done $0x0  }
0x76: {  	s18 =	sshra.s32 @!p0 s30, $0x2;
	[sflag:s13] =	ssyncadd.s32 $0xFFFFE700  }
0x77: {  	v1 =	vld @!p0 [tilespmem:s18+$0x4E20];
	_ =	sdelay $0x7  }
0x78: {  	[tilespmem:v1+s28+$0x0] =	vst.idx.add.f32.msk @!p0 $0xffff, v0  }
0x79: {  	v1 =	vld @!p0 [tilespmem:s18+$0x4E30];
	_ =	sdelay $0x7  }
0x7a: {  	[tilespmem:v1+s28+$0x0] =	vst.idx.add.f32.msk @!p0 $0xffff, v0  }
0x7b: {  	v1 =	vld @!p0 [tilespmem:s18+$0x4E40];
	_ =	sdelay $0x7  }
0x7c: {  	[tilespmem:v1+s28+$0x0] =	vst.idx.add.f32.msk @!p0 $0xffff, v0  }
0x7d: {  	v1 =	vld @!p0 [tilespmem:s18+$0x4E50];
	_ =	sdelay $0x7  }
0x7e: {  	[tilespmem:v1+s28+$0x0] =	vst.idx.add.f32.msk @!p0 $0xffff, v0  }
0x7f: {  	v1 =	vld @!p0 [tilespmem:s18+$0x4E60];
	_ =	sdelay $0x7  }
0x80: {  	s6 =	sadd.s32 $0xF0, s5;
	[tilespmem:v1+s28+$0x0] =	vst.idx.add.f32.msk @!p0 $0xffff, v0  }
0x81: {  	[tilespmem:s16], [sflag:$0x1] =	stream.indirect.gather [hbm4b:s7+s15], $0x50, s6, s15, $0xb8;
	[tilespmem:$0x1D1A0] =	vst v63  }
0x82: {  	_ =	swait.ge [sflag:s24], $0x1900  }
0x83: {  	[sflag:s24] =	ssyncset.done $0x0  }
0x84: {  	s6 =	sadd.s32 $0x4E70, s5;
	[sflag:s24] =	ssyncadd.s32 $0xFFFFE700  }
0x85: {  	[spmem:s3] =	stream.indirect.scatter.add.f32 [tilespmem:s17], [sflag:$0x4], $0x50, s6, s15, $0xb8;
	[tilespmem:$0x1D1A0] =	vst v63  }
0x86: {  	_ =	swait.ge [sflag:s13], $0x1900  }
0x87: {  	[sflag:s13] =	ssyncset.done $0x0  }
0x88: {  	[sflag:s13] =	ssyncadd.s32 $0xFFFFE700  }
0x89: {  	_ =	swait.ge @p0 [sflag:s1], $0x1900  }
0x8a: {  	s6 =	sshra.s32 @p0 s30, $0x2;
	[sflag:s1] =	ssyncset.done @p0 $0x0  }
0x8b: {  	[sflag:s1] =	ssyncadd.s32 @p0 $0xFFFFE700;
	s1 =	sadd.s32 @p0 $0x4EC0, s6  }
0x8c: {  	[spmem:s3] =	stream.indirect.scatter.add.f32 @p0 [tilespmem:s14], [sflag:$0x4], $0x50, s1, s0, $0xb8;
	[tilespmem:$0x1D1A0] =	vst v63  }
0x8d: {  	_ =	swait.ge @p0 [sflag:s29], $0x1900  }
0x8e: {  	[sflag:s29] =	ssyncset.done @p0 $0x0  }
0x8f: {  	[sflag:s29] =	ssyncadd.s32 @p0 $0xFFFFE700  }
0x90: {  	v1 =	vld @!p0 [tilespmem:s5+$0x4E70];
	_ =	sdelay $0x7  }
0x91: {  	[tilespmem:v1+s28+$0x0] =	vst.idx.add.f32.msk @!p0 $0xffff, v0  }
0x92: {  	v1 =	vld @!p0 [tilespmem:s18+$0x4E80];
	_ =	sdelay $0x7  }
0x93: {  	[tilespmem:v1+s28+$0x0] =	vst.idx.add.f32.msk @!p0 $0xffff, v0  }
0x94: {  	v1 =	vld @!p0 [tilespmem:s18+$0x4E90];
	_ =	sdelay $0x7  }
0x95: {  	[tilespmem:v1+s28+$0x0] =	vst.idx.add.f32.msk @!p0 $0xffff, v0  }
0x96: {  	v1 =	vld @!p0 [tilespmem:s18+$0x4EA0];
	_ =	sdelay $0x7  }
0x97: {  	[tilespmem:v1+s28+$0x0] =	vst.idx.add.f32.msk @!p0 $0xffff, v0  }
0x98: {  	v1 =	vld @!p0 [tilespmem:s18+$0x4EB0];
	_ =	sdelay $0x7  }
0x99: {  	[tilespmem:v1+s28+$0x0] =	vst.idx.add.f32.msk @!p0 $0xffff, v0  }
0x9a: {  	_ =	swait.ge @!p0 [sflag:s22], $0x1900  }
0x9b: {  	[sflag:s22] =	ssyncset.done @!p0 $0x0  }
0x9c: {  	s0 =	sadd.s32 @!p0 $0x4EC0, s18;
	[sflag:s22] =	ssyncadd.s32 @!p0 $0xFFFFE700  }
0x9d: {  	[spmem:s3] =	stream.indirect.scatter.add.f32 @!p0 [tilespmem:s25], [sflag:$0x4], $0x50, s0, s2, $0xb8;
	[tilespmem:$0x1D1A0] =	vst v63  }
0x9e: {  	_ =	swait.ge @!p0 [sflag:s31], $0x1900  }
0x9f: {  	[sflag:s31] =	ssyncset.done @!p0 $0x0  }
0xa0: {  	[sflag:s31] =	ssyncadd.s32 @!p0 $0xFFFFE700  }
0xa1: {  	v1 =	vld @!p0 [tilespmem:s18+$0x4EC0];
	_ =	sdelay $0x7  }
0xa2: {  	[tilespmem:v1+s28+$0x0] =	vst.idx.add.f32.msk @!p0 $0xffff, v0  }
0xa3: {  	v1 =	vld @!p0 [tilespmem:s18+$0x4ED0];
	_ =	sdelay $0x7  }
0xa4: {  	[tilespmem:v1+s28+$0x0] =	vst.idx.add.f32.msk @!p0 $0xffff, v0  }
0xa5: {  	v1 =	vld @!p0 [tilespmem:s18+$0x4EE0];
	_ =	sdelay $0x7  }
0xa6: {  	[tilespmem:v1+s28+$0x0] =	vst.idx.add.f32.msk @!p0 $0xffff, v0  }
0xa7: {  	v1 =	vld @!p0 [tilespmem:s18+$0x4EF0];
	_ =	sdelay $0x7  }
0xa8: {  	[tilespmem:v1+s28+$0x0] =	vst.idx.add.f32.msk @!p0 $0xffff, v0  }
0xa9: {  	v1 =	vld @!p0 [tilespmem:s18+$0x4F00];
	_ =	sdelay $0x7  }
0xaa: {  	[tilespmem:v1+s28+$0x0] =	vst.idx.add.f32.msk @!p0 $0xffff, v0  }
0xab: {  	_ =	swait.ge [sflag:s23], $0x1900  }
0xac: {  	[sflag:s23] =	ssyncset.done $0x0  }
0xad: {  	s30 =	simm.s32 $0x9BF0;
	[sflag:s23] =	ssyncadd.s32 $0xFFFFE700  }
0xae: {  	[spmem:s3] =	stream.indirect.scatter.add.f32 [tilespmem:s16], [sflag:$0x4], $0x50, s30, s15, $0xb8;
	[tilespmem:$0x1D1A0] =	vst v63  }
0xaf: {  	_ =	swait.ge [sflag:s13], $0x1900  }
0xb0: {  	[sflag:s13] =	ssyncset.done $0x0  }
0xb1: {  	[sflag:s13] =	ssyncadd.s32 $0xFFFFE700  }
0xb2: {  	s0 =	sshrl.u32 @p0 s8, $0x3;
	[bflag:$0x0] =	sbarrier.arrive @p0 $0xFFFF  }
0xb3: {  	[hbm:s10], [sflag:s20] =	dma.local @p0 [spmem:s0], $0x186A  }
0xb4: {  	_ =	swait.ge @p0 [sflag:s29], $0x186A  }
0xb5: {  	[sflag:s29] =	ssyncset.done @p0 $0x0  }
0xb6: {  	[sflag:s29] =	ssyncadd.s32 @p0 $0xFFFFE796  }
0xb7: {  	v1 =	vld @!p0 [tilespmem:$0x9BF0];
	_ =	sdelay $0x7  }
0xb8: {  	[tilespmem:v1+s28+$0x0] =	vst.idx.add.f32.msk @!p0 $0xffff, v0  }
0xb9: {  	v1 =	vld @!p0 [tilespmem:$0x9C00];
	_ =	sdelay $0x7  }
0xba: {  	[tilespmem:v1+s28+$0x0] =	vst.idx.add.f32.msk @!p0 $0xffff, v0  }
0xbb: {  	v1 =	vld @!p0 [tilespmem:$0x9C10];
	_ =	sdelay $0x7  }
0xbc: {  	[tilespmem:v1+s28+$0x0] =	vst.idx.add.f32.msk @!p0 $0xffff, v0  }
0xbd: {  	v1 =	vld @!p0 [tilespmem:$0x9C20];
	_ =	sdelay $0x7  }
0xbe: {  	[tilespmem:v1+s28+$0x0] =	vst.idx.add.f32.msk @!p0 $0xffff, v0  }
0xbf: {  	v1 =	vld @!p0 [tilespmem:$0x9C30];
	_ =	sdelay $0x7  }
0xc0: {  	[tilespmem:v1+s28+$0x0] =	vst.idx.add.f32.msk @!p0 $0xffff, v0  }
0xc1: {  	s0 =	sshrl.u32 @!p0 s8, $0x3;
	[bflag:$0x0] =	sbarrier.arrive @!p0 $0xFFFF  }
0xc2: {  	[hbm:s10], [sflag:s20] =	dma.local @!p0 [spmem:s0], $0x186A  }
0xc3: {  	s26 =	sadd.s32 $0x1, s26;
	_ =	swait.ge @!p0 [sflag:s31], $0x186A  }
0xc4: {  	p1 =	sne.s32 s26, s12;
	[sflag:s31] =	ssyncset.done @!p0 $0x0  }
.Ltmp1:
0xc5: {  	s0 =	simm.s32 @!p0 $0x0;
	[sflag:s31] =	ssyncadd.s32 @!p0 $0xFFFFE796;
	(pc) =	sbr.rel @p1 .LBB2_1-.Ltmp1, $4  }
0xc6: {  	[hbm4b:s11+s0] =	stream.linear.scatter @!p0 [tilespmem:s28], [sflag:$0x4], $0x2710, $0x38;
	[tilespmem:$0x1D1A0] =	vst v63  }
0xc7: {  	_ =	swait.ge @!p0 [sflag:s31], $0x2710  }
0xc8: {  	[sflag:s31] =	ssyncset.done @!p0 $0x0  }
0xc9: {  	[sflag:s31] =	ssyncadd.s32 @!p0 $0xFFFFD8F0  }
0xca: {  	_ =	sfence.sel $0x180000  }
0xcb: {  	[bflag:$0x0] =	sbarrier.arrive $0xFFFF  }
0xcc: {  	_ =	strace $0x90000047  }
0xcd: {  	s0 =	stileid.u32;
	[bflag:$0x2] =	sbarrier.arrive $0xFFFF  }
0xce: {  	p0 =	sne.s32 s0, $0x0;
	s0 =	rddreg [dreg:$0x4]  }
0xcf: {  	s0 =	sadd.s32 @!p0 $0x100000, s0  }
0xd0: {  	[sflag:s0] =	ssyncadd.tile.s32 @!p0 $0x1;
	_ =	shalt  }
.Lfunc_end2:
_tile_overlayer_lowered:
.L_overlay_start_2:
0xd1: {  	(tag) =	ssettag $0x2  }
0xd2: {  	s0 =	rddreg [dreg:$0x0];
	s2 =	stileid.u32  }
0xd3: {  	s1 =	rddreg [dreg:$0x1];
	p0 =	sne.s32 s2, $0x0  }
0xd4: {  	s3 =	rddreg [dreg:$0x2];
	[bflag:$0x3] =	sbarrier.arrive $0xFFFF;
	s2 =	simm.s32 @!p0 $0x1C04  }
0xd5: {  	[timem:s3], [sflag:s2] =	dma.local @!p0 [hbm:s0], s1  }
0xd6: {  	s0 =	simm.s32 @!p0 $0x4  }
0xd7: {  	_ =	swait.ge @!p0 [sflag:s0], s1  }
0xd8: {  	s1 =	ssub.s32 @!p0 $0x0, s1;
	[sflag:s0] =	ssyncset.done @!p0 $0x0  }
0xd9: {  	[sflag:s0] =	ssyncadd.s32 @!p0 s1  }
0xda: {  	[bflag:$0x3] =	sbarrier.arrive $0xFFFF  }
0xdb: {  	_ =	shalt  }

</sc_bundles>
